<compile_context>
chip_gen: v7x
topology: tpu7x:2x2x1
jax: 0.10.2.dev20260603
libtpu: 0.0.44.dev20260713+nightly
codegen_flags: <defaults>
</compile_context>

<pallas_src>
import functools

import jax
import jax.numpy as jnp
from jax import lax
from jax.experimental import pallas as pl
from jax.experimental.pallas import tpu as pltpu
from jax.experimental.pallas import tpu_sc as plsc

_BATCH = 4
_SEQ = 8192
_D = 8
_NT = _SEQ // 128
_TBL = _D * _SEQ

_info = plsc.get_sparse_core_info()
_NC = _info.num_cores
_NS = _info.num_subcores
_NACT = 16
_BPW = _BATCH * _SEQ // _NACT
_WPR = _SEQ // _BPW
_BLK = _BPW // 128
_L = 16
_HALF = _BPW * _D // 2

_mesh = plsc.VectorSubcoreMesh(core_axis_name="c", subcore_axis_name="s")


@functools.partial(
    pl.kernel,
    mesh=_mesh,
    out_type=jax.ShapeDtypeStruct((_BATCH, _SEQ * _D), jnp.float32),
    scratch_types=[
        pltpu.VMEM((_BPW,), jnp.int32),
        pltpu.VMEM((_TBL,), jnp.float32),
        pltpu.VMEM((_BPW * _D,), jnp.float32),
        pltpu.SemaphoreType.DMA,
        pltpu.SemaphoreType.DMA,
    ],
    compiler_params=pltpu.CompilerParams(
        use_tc_tiling_on_sc=False, needs_layout_passes=False
    ),
)
def _gather_t(xk_hbm, tk_hbm, out_hbm, idx_v, tbl_v, out_v, sem, wsem):
    wid = lax.axis_index("s") * _NC + lax.axis_index("c")

    @pl.when(wid < _NACT)
    def _():
        b = wid // _WPR
        blk0 = (wid % _WPR) * _BLK
        cps = [pltpu.async_copy(tk_hbm, tbl_v, sem)]
        for i in range(_BLK):
            cps.append(
                pltpu.async_copy(
                    xk_hbm.at[blk0 + i, b], idx_v.at[pl.ds(i * 128, 128)], sem
                )
            )
        for cp in cps:
            cp.wait()

        def body(k, _):
            tvec = idx_v[pl.ds(pl.multiple_of(k * _L, _L), _L)]
            base = tvec + lax.shift_right_logical(tvec, 7) * 896
            obase = (k >> 3) * 1024 + (k & 7) * _L
            for d in range(_D):
                vals = plsc.load_gather(tbl_v, [base + d * 128])
                out_v[pl.ds(pl.multiple_of(obase + d * 128, _L), _L)] = vals
            return _

        lax.fori_loop(0, _BPW // _L // 2, body, None)
        wb0 = pltpu.async_copy(
            out_v.at[pl.ds(0, _HALF)],
            out_hbm.at[b, pl.ds(blk0 * 1024, _HALF)],
            wsem,
        )
        lax.fori_loop(_BPW // _L // 2, _BPW // _L, body, None)
        wb0.wait()
        pltpu.sync_copy(
            out_v.at[pl.ds(_HALF, _HALF)],
            out_hbm.at[b, pl.ds(blk0 * 1024 + _HALF, _HALF)],
        )


def kernel(x, table):
    xk = x.reshape(_BATCH, _NT, 128).transpose(1, 0, 2)
    tk = (
        jnp.transpose(table)
        .reshape(_D, _NT, 128)
        .transpose(1, 0, 2)
        .reshape(_TBL)
    )
    out_k = _gather_t(xk, tk)
    return (
        out_k.reshape(_BATCH, _NT, _D, 128)
        .transpose(0, 1, 3, 2)
        .reshape(_BATCH, _SEQ, _D)
    )

# --- scband reference (transcript-rebuilt; emitter-appended) ---
"""Pipeline reference for scband-position-embedding-27917287424283 (READ-ONLY COPY).

The authoritative reference and input builder live on the scoring server;
editing this copy changes nothing except your own understanding.
"""

import jax, jax.numpy as jnp
import numpy as np

MAX_POSITION_LEN = 8192
MODEL_DIM = 8


def build_embedding_table(max_position_len, model_dim):
    pos_mat = jnp.arange(max_position_len, dtype=jnp.float32).reshape(-1, 1)
    i_mat = jnp.power(10000.0, jnp.arange(0, 8, 2, dtype=jnp.float32).reshape(1, -1) / model_dim)
    table = jnp.zeros((max_position_len, model_dim), dtype=jnp.float32)
    table = table.at[:, 0::2].set(jnp.sin(pos_mat / i_mat))
    table = table.at[:, 1::2].set(jnp.cos(pos_mat / i_mat))
    return table


def setup_inputs(seed: int = 0) -> dict:
    key = jax.random.key(seed)
    k_idx, _ = jax.random.split(key)
    x = jax.random.randint(k_idx, (4, 8192), 0, MAX_POSITION_LEN, dtype=jnp.int64 if jax.config.read('jax_enable_x64') else jnp.int32)
    table = build_embedding_table(MAX_POSITION_LEN, MODEL_DIM)
    return {"x": x, "table": table}


def reference(x, table):
    # nn.Embedding lookup: gather rows of the (fixed sinusoidal) table
    return jnp.take(table, x, axis=0)

if __name__ == "__main__":
    import jax
    _d = setup_inputs()
    print(jax.jit(kernel)(*tuple(_d.values())))

</pallas_src>

<mosaic_0001>
#map = affine_map<(d0, d1) -> (0, 0, 0)>
#map1 = affine_map<(d0, d1) -> (0)>
#map2 = affine_map<(d0, d1) -> (0, 0)>
module attributes {stable_mosaic.version = 14 : i64} {
  func.func @_gather_t(%arg0: i32, %arg1: i32, %arg2: memref<64x4x128xi32, #tpu.memory_space<hbm>>, %arg3: memref<65536xf32, #tpu.memory_space<hbm>>, %arg4: memref<4x65536xf32, #tpu.memory_space<hbm>>, %arg5: memref<2048xi32, #tpu.memory_space<vmem>>, %arg6: memref<65536xf32, #tpu.memory_space<vmem>>, %arg7: memref<16384xf32, #tpu.memory_space<vmem>>, %arg8: memref<!tpu.dma_semaphore, #tpu.memory_space<semaphore_mem>>, %arg9: memref<!tpu.dma_semaphore, #tpu.memory_space<semaphore_mem>>) attributes {dimension_semantics = [#tpu.dimension_semantics<core_parallel>, #tpu.dimension_semantics<subcore_parallel>], iteration_bounds = array<i64: 2, 16>, scalar_prefetch = 0 : i64, scratch_operands = 5 : i64, tpu.core_type = #tpu.core_type<sc_vector_subcore>, window_params = [{transform_indices = #map}, {transform_indices = #map1}, {transform_indices = #map2}]} {
    %mul3A = arith.constant 2 : i32
    %mul3A_0 = arith.muli %arg1, %mul3A : i32
    %add3A = arith.addi %mul3A_0, %arg0 : i32
    %lt3A = arith.constant 16 : i32
    %lt3A_1 = arith.cmpi slt, %add3A, %lt3A : i32
    %convert_element_type3A = arith.extui %lt3A_1 : i1 to i32
    %cond3A = arith.constant 0 : i32
    %cond3A_2 = arith.cmpi ne, %convert_element_type3A, %cond3A : i32
    scf.if %cond3A_2 {
      %jit3A = arith.constant 4 : i32
      %div3A = arith.divsi %add3A, %jit3A : i32
      %sign3A = arith.constant 0 : i32
      %sign3A_3 = arith.cmpi sgt, %add3A, %sign3A : i32
      %sign3A_4 = arith.extui %sign3A_3 : i1 to i32
      %sign3A_5 = arith.constant 0 : i32
      %sign3A_6 = arith.cmpi slt, %add3A, %sign3A_5 : i32
      %sign3A_7 = arith.extui %sign3A_6 : i1 to i32
      %sign3A_8 = arith.subi %sign3A_4, %sign3A_7 : i32
      %sign3A_9 = arith.constant 0 : i32
      %sign3A_10 = arith.cmpi sgt, %jit3A, %sign3A_9 : i32
      %sign3A_11 = arith.extui %sign3A_10 : i1 to i32
      %sign3A_12 = arith.constant 0 : i32
      %sign3A_13 = arith.cmpi slt, %jit3A, %sign3A_12 : i32
      %sign3A_14 = arith.extui %sign3A_13 : i1 to i32
      %sign3A_15 = arith.subi %sign3A_11, %sign3A_14 : i32
      %ne3A = arith.cmpi ne, %sign3A_8, %sign3A_15 : i32
      %rem3A = arith.remsi %add3A, %jit3A : i32
      %ne3A_16 = arith.constant 0 : i32
      %ne3A_17 = arith.cmpi ne, %rem3A, %ne3A_16 : i32
      %and3A = arith.andi %ne3A, %ne3A_17 : i1
      %sub3A = arith.constant 1 : i32
      %sub3A_18 = arith.subi %div3A, %sub3A : i32
      %select_n3A = arith.select %and3A, %sub3A_18, %div3A : i32
      %jit3A_19 = arith.constant 4 : i32
      %eq3A = arith.constant 0 : i32
      %eq3A_20 = arith.cmpi eq, %jit3A_19, %eq3A : i32
      %jit3A_21 = arith.constant 1 : i32
      %select_n3A_22 = arith.select %eq3A_20, %jit3A_21, %jit3A_19 : i32
      %rem3A_23 = arith.remsi %add3A, %select_n3A_22 : i32
      %ne3A_24 = arith.constant 0 : i32
      %ne3A_25 = arith.cmpi ne, %rem3A_23, %ne3A_24 : i32
      %lt3A_26 = arith.constant 0 : i32
      %lt3A_27 = arith.cmpi slt, %rem3A_23, %lt3A_26 : i32
      %lt3A_28 = arith.constant 0 : i32
      %lt3A_29 = arith.cmpi slt, %select_n3A_22, %lt3A_28 : i32
      %ne3A_30 = arith.xori %lt3A_27, %lt3A_29 : i1
      %and3A_31 = arith.andi %ne3A_30, %ne3A_25 : i1
      %add3A_32 = arith.addi %rem3A_23, %select_n3A_22 : i32
      %select_n3A_33 = arith.select %and3A_31, %add3A_32, %rem3A_23 : i32
      %mul3A_34 = arith.constant 16 : i32
      %mul3A_35 = arith.muli %select_n3A_33, %mul3A_34 : i32
      tpu.enqueue_dma source(%arg3 : memref<65536xf32, #tpu.memory_space<hbm>>) target(%arg6 : memref<65536xf32, #tpu.memory_space<vmem>>) target_semaphore(%arg8 : memref<!tpu.dma_semaphore, #tpu.memory_space<semaphore_mem>>)
      %add3A_36 = arith.constant 0 : i32
      %add3A_37 = arith.addi %mul3A_35, %add3A_36 : i32
      %dma_start3A = arith.constant 0 : i32
      %dma_start3A_38 = tpu.memref_slice %arg5[%dma_start3A] : memref<2048xi32, #tpu.memory_space<vmem>> -> memref<128xi32, #tpu.memory_space<vmem>>
      %dma_start3A_39 = arith.constant 0 : i32
      %dma_start3A_40 = tpu.memref_slice %arg2[%add3A_37, %select_n3A, %dma_start3A_39] : memref<64x4x128xi32, #tpu.memory_space<hbm>> -> memref<1x1x128xi32, #tpu.memory_space<hbm>>
      %dma_start3A_41 = tpu.memref_squeeze %dma_start3A_40 : memref<1x1x128xi32, #tpu.memory_space<hbm>> -> memref<128xi32, #tpu.memory_space<hbm>>
      %dma_start3A_42 = arith.constant 0 : i32
      %dma_start3A_43 = tpu.memref_slice %arg5[%dma_start3A_42] : memref<2048xi32, #tpu.memory_space<vmem>> -> memref<128xi32, #tpu.memory_space<vmem>>
      %dma_start3A_44 = arith.constant 0 : i32
      %dma_start3A_45 = tpu.memref_slice %arg2[%add3A_37, %select_n3A, %dma_start3A_44] : memref<64x4x128xi32, #tpu.memory_space<hbm>> -> memref<1x1x128xi32, #tpu.memory_space<hbm>>
      %dma_start3A_46 = tpu.memref_squeeze %dma_start3A_45 : memref<1x1x128xi32, #tpu.memory_space<hbm>> -> memref<128xi32, #tpu.memory_space<hbm>>
      tpu.enqueue_dma source(%dma_start3A_46 : memref<128xi32, #tpu.memory_space<hbm>>) target(%dma_start3A_43 : memref<128xi32, #tpu.memory_space<vmem>>) target_semaphore(%arg8 : memref<!tpu.dma_semaphore, #tpu.memory_space<semaphore_mem>>)
      %add3A_47 = arith.constant 1 : i32
      %add3A_48 = arith.addi %mul3A_35, %add3A_47 : i32
      %dma_start3A_49 = arith.constant 128 : i32
      %dma_start3A_50 = tpu.memref_slice %arg5[%dma_start3A_49] : memref<2048xi32, #tpu.memory_space<vmem>> -> memref<128xi32, #tpu.memory_space<vmem>>
      %dma_start3A_51 = arith.constant 0 : i32
      %dma_start3A_52 = tpu.memref_slice %arg2[%add3A_48, %select_n3A, %dma_start3A_51] : memref<64x4x128xi32, #tpu.memory_space<hbm>> -> memref<1x1x128xi32, #tpu.memory_space<hbm>>
      %dma_start3A_53 = tpu.memref_squeeze %dma_start3A_52 : memref<1x1x128xi32, #tpu.memory_space<hbm>> -> memref<128xi32, #tpu.memory_space<hbm>>
      %dma_start3A_54 = arith.constant 128 : i32
      %dma_start3A_55 = tpu.memref_slice %arg5[%dma_start3A_54] : memref<2048xi32, #tpu.memory_space<vmem>> -> memref<128xi32, #tpu.memory_space<vmem>>
      %dma_start3A_56 = arith.constant 0 : i32
      %dma_start3A_57 = tpu.memref_slice %arg2[%add3A_48, %select_n3A, %dma_start3A_56] : memref<64x4x128xi32, #tpu.memory_space<hbm>> -> memref<1x1x128xi32, #tpu.memory_space<hbm>>
      %dma_start3A_58 = tpu.memref_squeeze %dma_start3A_57 : memref<1x1x128xi32, #tpu.memory_space<hbm>> -> memref<128xi32, #tpu.memory_space<hbm>>
      tpu.enqueue_dma source(%dma_start3A_58 : memref<128xi32, #tpu.memory_space<hbm>>) target(%dma_start3A_55 : memref<128xi32, #tpu.memory_space<vmem>>) target_semaphore(%arg8 : memref<!tpu.dma_semaphore, #tpu.memory_space<semaphore_mem>>)
      %add3A_59 = arith.constant 2 : i32
      %add3A_60 = arith.addi %mul3A_35, %add3A_59 : i32
      %dma_start3A_61 = arith.constant 256 : i32
      %dma_start3A_62 = tpu.memref_slice %arg5[%dma_start3A_61] : memref<2048xi32, #tpu.memory_space<vmem>> -> memref<128xi32, #tpu.memory_space<vmem>>
      %dma_start3A_63 = arith.constant 0 : i32
      %dma_start3A_64 = tpu.memref_slice %arg2[%add3A_60, %select_n3A, %dma_start3A_63] : memref<64x4x128xi32, #tpu.memory_space<hbm>> -> memref<1x1x128xi32, #tpu.memory_space<hbm>>
      %dma_start3A_65 = tpu.memref_squeeze %dma_start3A_64 : memref<1x1x128xi32, #tpu.memory_space<hbm>> -> memref<128xi32, #tpu.memory_space<hbm>>
      %dma_start3A_66 = arith.constant 256 : i32
      %dma_start3A_67 = tpu.memref_slice %arg5[%dma_start3A_66] : memref<2048xi32, #tpu.memory_space<vmem>> -> memref<128xi32, #tpu.memory_space<vmem>>
      %dma_start3A_68 = arith.constant 0 : i32
      %dma_start3A_69 = tpu.memref_slice %arg2[%add3A_60, %select_n3A, %dma_start3A_68] : memref<64x4x128xi32, #tpu.memory_space<hbm>> -> memref<1x1x128xi32, #tpu.memory_space<hbm>>
      %dma_start3A_70 = tpu.memref_squeeze %dma_start3A_69 : memref<1x1x128xi32, #tpu.memory_space<hbm>> -> memref<128xi32, #tpu.memory_space<hbm>>
      tpu.enqueue_dma source(%dma_start3A_70 : memref<128xi32, #tpu.memory_space<hbm>>) target(%dma_start3A_67 : memref<128xi32, #tpu.memory_space<vmem>>) target_semaphore(%arg8 : memref<!tpu.dma_semaphore, #tpu.memory_space<semaphore_mem>>)
      %add3A_71 = arith.constant 3 : i32
      %add3A_72 = arith.addi %mul3A_35, %add3A_71 : i32
      %dma_start3A_73 = arith.constant 384 : i32
      %dma_start3A_74 = tpu.memref_slice %arg5[%dma_start3A_73] : memref<2048xi32, #tpu.memory_space<vmem>> -> memref<128xi32, #tpu.memory_space<vmem>>
      %dma_start3A_75 = arith.constant 0 : i32
      %dma_start3A_76 = tpu.memref_slice %arg2[%add3A_72, %select_n3A, %dma_start3A_75] : memref<64x4x128xi32, #tpu.memory_space<hbm>> -> memref<1x1x128xi32, #tpu.memory_space<hbm>>
      %dma_start3A_77 = tpu.memref_squeeze %dma_start3A_76 : memref<1x1x128xi32, #tpu.memory_space<hbm>> -> memref<128xi32, #tpu.memory_space<hbm>>
      %dma_start3A_78 = arith.constant 384 : i32
      %dma_start3A_79 = tpu.memref_slice %arg5[%dma_start3A_78] : memref<2048xi32, #tpu.memory_space<vmem>> -> memref<128xi32, #tpu.memory_space<vmem>>
      %dma_start3A_80 = arith.constant 0 : i32
      %dma_start3A_81 = tpu.memref_slice %arg2[%add3A_72, %select_n3A, %dma_start3A_80] : memref<64x4x128xi32, #tpu.memory_space<hbm>> -> memref<1x1x128xi32, #tpu.memory_space<hbm>>
      %dma_start3A_82 = tpu.memref_squeeze %dma_start3A_81 : memref<1x1x128xi32, #tpu.memory_space<hbm>> -> memref<128xi32, #tpu.memory_space<hbm>>
      tpu.enqueue_dma source(%dma_start3A_82 : memref<128xi32, #tpu.memory_space<hbm>>) target(%dma_start3A_79 : memref<128xi32, #tpu.memory_space<vmem>>) target_semaphore(%arg8 : memref<!tpu.dma_semaphore, #tpu.memory_space<semaphore_mem>>)
      %add3A_83 = arith.constant 4 : i32
      %add3A_84 = arith.addi %mul3A_35, %add3A_83 : i32
      %dma_start3A_85 = arith.constant 512 : i32
      %dma_start3A_86 = tpu.memref_slice %arg5[%dma_start3A_85] : memref<2048xi32, #tpu.memory_space<vmem>> -> memref<128xi32, #tpu.memory_space<vmem>>
      %dma_start3A_87 = arith.constant 0 : i32
      %dma_start3A_88 = tpu.memref_slice %arg2[%add3A_84, %select_n3A, %dma_start3A_87] : memref<64x4x128xi32, #tpu.memory_space<hbm>> -> memref<1x1x128xi32, #tpu.memory_space<hbm>>
      %dma_start3A_89 = tpu.memref_squeeze %dma_start3A_88 : memref<1x1x128xi32, #tpu.memory_space<hbm>> -> memref<128xi32, #tpu.memory_space<hbm>>
      %dma_start3A_90 = arith.constant 512 : i32
      %dma_start3A_91 = tpu.memref_slice %arg5[%dma_start3A_90] : memref<2048xi32, #tpu.memory_space<vmem>> -> memref<128xi32, #tpu.memory_space<vmem>>
      %dma_start3A_92 = arith.constant 0 : i32
      %dma_start3A_93 = tpu.memref_slice %arg2[%add3A_84, %select_n3A, %dma_start3A_92] : memref<64x4x128xi32, #tpu.memory_space<hbm>> -> memref<1x1x128xi32, #tpu.memory_space<hbm>>
      %dma_start3A_94 = tpu.memref_squeeze %dma_start3A_93 : memref<1x1x128xi32, #tpu.memory_space<hbm>> -> memref<128xi32, #tpu.memory_space<hbm>>
      tpu.enqueue_dma source(%dma_start3A_94 : memref<128xi32, #tpu.memory_space<hbm>>) target(%dma_start3A_91 : memref<128xi32, #tpu.memory_space<vmem>>) target_semaphore(%arg8 : memref<!tpu.dma_semaphore, #tpu.memory_space<semaphore_mem>>)
      %add3A_95 = arith.constant 5 : i32
      %add3A_96 = arith.addi %mul3A_35, %add3A_95 : i32
      %dma_start3A_97 = arith.constant 640 : i32
      %dma_start3A_98 = tpu.memref_slice %arg5[%dma_start3A_97] : memref<2048xi32, #tpu.memory_space<vmem>> -> memref<128xi32, #tpu.memory_space<vmem>>
      %dma_start3A_99 = arith.constant 0 : i32
      %dma_start3A_100 = tpu.memref_slice %arg2[%add3A_96, %select_n3A, %dma_start3A_99] : memref<64x4x128xi32, #tpu.memory_space<hbm>> -> memref<1x1x128xi32, #tpu.memory_space<hbm>>
      %dma_start3A_101 = tpu.memref_squeeze %dma_start3A_100 : memref<1x1x128xi32, #tpu.memory_space<hbm>> -> memref<128xi32, #tpu.memory_space<hbm>>
      %dma_start3A_102 = arith.constant 640 : i32
      %dma_start3A_103 = tpu.memref_slice %arg5[%dma_start3A_102] : memref<2048xi32, #tpu.memory_space<vmem>> -> memref<128xi32, #tpu.memory_space<vmem>>
      %dma_start3A_104 = arith.constant 0 : i32
      %dma_start3A_105 = tpu.memref_slice %arg2[%add3A_96, %select_n3A, %dma_start3A_104] : memref<64x4x128xi32, #tpu.memory_space<hbm>> -> memref<1x1x128xi32, #tpu.memory_space<hbm>>
      %dma_start3A_106 = tpu.memref_squeeze %dma_start3A_105 : memref<1x1x128xi32, #tpu.memory_space<hbm>> -> memref<128xi32, #tpu.memory_space<hbm>>
      tpu.enqueue_dma source(%dma_start3A_106 : memref<128xi32, #tpu.memory_space<hbm>>) target(%dma_start3A_103 : memref<128xi32, #tpu.memory_space<vmem>>) target_semaphore(%arg8 : memref<!tpu.dma_semaphore, #tpu.memory_space<semaphore_mem>>)
      %add3A_107 = arith.constant 6 : i32
      %add3A_108 = arith.addi %mul3A_35, %add3A_107 : i32
      %dma_start3A_109 = arith.constant 768 : i32
      %dma_start3A_110 = tpu.memref_slice %arg5[%dma_start3A_109] : memref<2048xi32, #tpu.memory_space<vmem>> -> memref<128xi32, #tpu.memory_space<vmem>>
      %dma_start3A_111 = arith.constant 0 : i32
      %dma_start3A_112 = tpu.memref_slice %arg2[%add3A_108, %select_n3A, %dma_start3A_111] : memref<64x4x128xi32, #tpu.memory_space<hbm>> -> memref<1x1x128xi32, #tpu.memory_space<hbm>>
      %dma_start3A_113 = tpu.memref_squeeze %dma_start3A_112 : memref<1x1x128xi32, #tpu.memory_space<hbm>> -> memref<128xi32, #tpu.memory_space<hbm>>
      %dma_start3A_114 = arith.constant 768 : i32
      %dma_start3A_115 = tpu.memref_slice %arg5[%dma_start3A_114] : memref<2048xi32, #tpu.memory_space<vmem>> -> memref<128xi32, #tpu.memory_space<vmem>>
      %dma_start3A_116 = arith.constant 0 : i32
      %dma_start3A_117 = tpu.memref_slice %arg2[%add3A_108, %select_n3A, %dma_start3A_116] : memref<64x4x128xi32, #tpu.memory_space<hbm>> -> memref<1x1x128xi32, #tpu.memory_space<hbm>>
      %dma_start3A_118 = tpu.memref_squeeze %dma_start3A_117 : memref<1x1x128xi32, #tpu.memory_space<hbm>> -> memref<128xi32, #tpu.memory_space<hbm>>
      tpu.enqueue_dma source(%dma_start3A_118 : memref<128xi32, #tpu.memory_space<hbm>>) target(%dma_start3A_115 : memref<128xi32, #tpu.memory_space<vmem>>) target_semaphore(%arg8 : memref<!tpu.dma_semaphore, #tpu.memory_space<semaphore_mem>>)
      %add3A_119 = arith.constant 7 : i32
      %add3A_120 = arith.addi %mul3A_35, %add3A_119 : i32
      %dma_start3A_121 = arith.constant 896 : i32
      %dma_start3A_122 = tpu.memref_slice %arg5[%dma_start3A_121] : memref<2048xi32, #tpu.memory_space<vmem>> -> memref<128xi32, #tpu.memory_space<vmem>>
      %dma_start3A_123 = arith.constant 0 : i32
      %dma_start3A_124 = tpu.memref_slice %arg2[%add3A_120, %select_n3A, %dma_start3A_123] : memref<64x4x128xi32, #tpu.memory_space<hbm>> -> memref<1x1x128xi32, #tpu.memory_space<hbm>>
      %dma_start3A_125 = tpu.memref_squeeze %dma_start3A_124 : memref<1x1x128xi32, #tpu.memory_space<hbm>> -> memref<128xi32, #tpu.memory_space<hbm>>
      %dma_start3A_126 = arith.constant 896 : i32
      %dma_start3A_127 = tpu.memref_slice %arg5[%dma_start3A_126] : memref<2048xi32, #tpu.memory_space<vmem>> -> memref<128xi32, #tpu.memory_space<vmem>>
      %dma_start3A_128 = arith.constant 0 : i32
      %dma_start3A_129 = tpu.memref_slice %arg2[%add3A_120, %select_n3A, %dma_start3A_128] : memref<64x4x128xi32, #tpu.memory_space<hbm>> -> memref<1x1x128xi32, #tpu.memory_space<hbm>>
      %dma_start3A_130 = tpu.memref_squeeze %dma_start3A_129 : memref<1x1x128xi32, #tpu.memory_space<hbm>> -> memref<128xi32, #tpu.memory_space<hbm>>
      tpu.enqueue_dma source(%dma_start3A_130 : memref<128xi32, #tpu.memory_space<hbm>>) target(%dma_start3A_127 : memref<128xi32, #tpu.memory_space<vmem>>) target_semaphore(%arg8 : memref<!tpu.dma_semaphore, #tpu.memory_space<semaphore_mem>>)
      %add3A_131 = arith.constant 8 : i32
      %add3A_132 = arith.addi %mul3A_35, %add3A_131 : i32
      %dma_start3A_133 = arith.constant 1024 : i32
      %dma_start3A_134 = tpu.memref_slice %arg5[%dma_start3A_133] : memref<2048xi32, #tpu.memory_space<vmem>> -> memref<128xi32, #tpu.memory_space<vmem>>
      %dma_start3A_135 = arith.constant 0 : i32
      %dma_start3A_136 = tpu.memref_slice %arg2[%add3A_132, %select_n3A, %dma_start3A_135] : memref<64x4x128xi32, #tpu.memory_space<hbm>> -> memref<1x1x128xi32, #tpu.memory_space<hbm>>
      %dma_start3A_137 = tpu.memref_squeeze %dma_start3A_136 : memref<1x1x128xi32, #tpu.memory_space<hbm>> -> memref<128xi32, #tpu.memory_space<hbm>>
      %dma_start3A_138 = arith.constant 1024 : i32
      %dma_start3A_139 = tpu.memref_slice %arg5[%dma_start3A_138] : memref<2048xi32, #tpu.memory_space<vmem>> -> memref<128xi32, #tpu.memory_space<vmem>>
      %dma_start3A_140 = arith.constant 0 : i32
      %dma_start3A_141 = tpu.memref_slice %arg2[%add3A_132, %select_n3A, %dma_start3A_140] : memref<64x4x128xi32, #tpu.memory_space<hbm>> -> memref<1x1x128xi32, #tpu.memory_space<hbm>>
      %dma_start3A_142 = tpu.memref_squeeze %dma_start3A_141 : memref<1x1x128xi32, #tpu.memory_space<hbm>> -> memref<128xi32, #tpu.memory_space<hbm>>
      tpu.enqueue_dma source(%dma_start3A_142 : memref<128xi32, #tpu.memory_space<hbm>>) target(%dma_start3A_139 : memref<128xi32, #tpu.memory_space<vmem>>) target_semaphore(%arg8 : memref<!tpu.dma_semaphore, #tpu.memory_space<semaphore_mem>>)
      %add3A_143 = arith.constant 9 : i32
      %add3A_144 = arith.addi %mul3A_35, %add3A_143 : i32
      %dma_start3A_145 = arith.constant 1152 : i32
      %dma_start3A_146 = tpu.memref_slice %arg5[%dma_start3A_145] : memref<2048xi32, #tpu.memory_space<vmem>> -> memref<128xi32, #tpu.memory_space<vmem>>
      %dma_start3A_147 = arith.constant 0 : i32
      %dma_start3A_148 = tpu.memref_slice %arg2[%add3A_144, %select_n3A, %dma_start3A_147] : memref<64x4x128xi32, #tpu.memory_space<hbm>> -> memref<1x1x128xi32, #tpu.memory_space<hbm>>
      %dma_start3A_149 = tpu.memref_squeeze %dma_start3A_148 : memref<1x1x128xi32, #tpu.memory_space<hbm>> -> memref<128xi32, #tpu.memory_space<hbm>>
      %dma_start3A_150 = arith.constant 1152 : i32
      %dma_start3A_151 = tpu.memref_slice %arg5[%dma_start3A_150] : memref<2048xi32, #tpu.memory_space<vmem>> -> memref<128xi32, #tpu.memory_space<vmem>>
      %dma_start3A_152 = arith.constant 0 : i32
      %dma_start3A_153 = tpu.memref_slice %arg2[%add3A_144, %select_n3A, %dma_start3A_152] : memref<64x4x128xi32, #tpu.memory_space<hbm>> -> memref<1x1x128xi32, #tpu.memory_space<hbm>>
      %dma_start3A_154 = tpu.memref_squeeze %dma_start3A_153 : memref<1x1x128xi32, #tpu.memory_space<hbm>> -> memref<128xi32, #tpu.memory_space<hbm>>
      tpu.enqueue_dma source(%dma_start3A_154 : memref<128xi32, #tpu.memory_space<hbm>>) target(%dma_start3A_151 : memref<128xi32, #tpu.memory_space<vmem>>) target_semaphore(%arg8 : memref<!tpu.dma_semaphore, #tpu.memory_space<semaphore_mem>>)
      %add3A_155 = arith.constant 10 : i32
      %add3A_156 = arith.addi %mul3A_35, %add3A_155 : i32
      %dma_start3A_157 = arith.constant 1280 : i32
      %dma_start3A_158 = tpu.memref_slice %arg5[%dma_start3A_157] : memref<2048xi32, #tpu.memory_space<vmem>> -> memref<128xi32, #tpu.memory_space<vmem>>
      %dma_start3A_159 = arith.constant 0 : i32
      %dma_start3A_160 = tpu.memref_slice %arg2[%add3A_156, %select_n3A, %dma_start3A_159] : memref<64x4x128xi32, #tpu.memory_space<hbm>> -> memref<1x1x128xi32, #tpu.memory_space<hbm>>
      %dma_start3A_161 = tpu.memref_squeeze %dma_start3A_160 : memref<1x1x128xi32, #tpu.memory_space<hbm>> -> memref<128xi32, #tpu.memory_space<hbm>>
      %dma_start3A_162 = arith.constant 1280 : i32
      %dma_start3A_163 = tpu.memref_slice %arg5[%dma_start3A_162] : memref<2048xi32, #tpu.memory_space<vmem>> -> memref<128xi32, #tpu.memory_space<vmem>>
      %dma_start3A_164 = arith.constant 0 : i32
      %dma_start3A_165 = tpu.memref_slice %arg2[%add3A_156, %select_n3A, %dma_start3A_164] : memref<64x4x128xi32, #tpu.memory_space<hbm>> -> memref<1x1x128xi32, #tpu.memory_space<hbm>>
      %dma_start3A_166 = tpu.memref_squeeze %dma_start3A_165 : memref<1x1x128xi32, #tpu.memory_space<hbm>> -> memref<128xi32, #tpu.memory_space<hbm>>
      tpu.enqueue_dma source(%dma_start3A_166 : memref<128xi32, #tpu.memory_space<hbm>>) target(%dma_start3A_163 : memref<128xi32, #tpu.memory_space<vmem>>) target_semaphore(%arg8 : memref<!tpu.dma_semaphore, #tpu.memory_space<semaphore_mem>>)
      %add3A_167 = arith.constant 11 : i32
      %add3A_168 = arith.addi %mul3A_35, %add3A_167 : i32
      %dma_start3A_169 = arith.constant 1408 : i32
      %dma_start3A_170 = tpu.memref_slice %arg5[%dma_start3A_169] : memref<2048xi32, #tpu.memory_space<vmem>> -> memref<128xi32, #tpu.memory_space<vmem>>
      %dma_start3A_171 = arith.constant 0 : i32
      %dma_start3A_172 = tpu.memref_slice %arg2[%add3A_168, %select_n3A, %dma_start3A_171] : memref<64x4x128xi32, #tpu.memory_space<hbm>> -> memref<1x1x128xi32, #tpu.memory_space<hbm>>
      %dma_start3A_173 = tpu.memref_squeeze %dma_start3A_172 : memref<1x1x128xi32, #tpu.memory_space<hbm>> -> memref<128xi32, #tpu.memory_space<hbm>>
      %dma_start3A_174 = arith.constant 1408 : i32
      %dma_start3A_175 = tpu.memref_slice %arg5[%dma_start3A_174] : memref<2048xi32, #tpu.memory_space<vmem>> -> memref<128xi32, #tpu.memory_space<vmem>>
      %dma_start3A_176 = arith.constant 0 : i32
      %dma_start3A_177 = tpu.memref_slice %arg2[%add3A_168, %select_n3A, %dma_start3A_176] : memref<64x4x128xi32, #tpu.memory_space<hbm>> -> memref<1x1x128xi32, #tpu.memory_space<hbm>>
      %dma_start3A_178 = tpu.memref_squeeze %dma_start3A_177 : memref<1x1x128xi32, #tpu.memory_space<hbm>> -> memref<128xi32, #tpu.memory_space<hbm>>
      tpu.enqueue_dma source(%dma_start3A_178 : memref<128xi32, #tpu.memory_space<hbm>>) target(%dma_start3A_175 : memref<128xi32, #tpu.memory_space<vmem>>) target_semaphore(%arg8 : memref<!tpu.dma_semaphore, #tpu.memory_space<semaphore_mem>>)
      %add3A_179 = arith.constant 12 : i32
      %add3A_180 = arith.addi %mul3A_35, %add3A_179 : i32
      %dma_start3A_181 = arith.constant 1536 : i32
      %dma_start3A_182 = tpu.memref_slice %arg5[%dma_start3A_181] : memref<2048xi32, #tpu.memory_space<vmem>> -> memref<128xi32, #tpu.memory_space<vmem>>
      %dma_start3A_183 = arith.constant 0 : i32
      %dma_start3A_184 = tpu.memref_slice %arg2[%add3A_180, %select_n3A, %dma_start3A_183] : memref<64x4x128xi32, #tpu.memory_space<hbm>> -> memref<1x1x128xi32, #tpu.memory_space<hbm>>
      %dma_start3A_185 = tpu.memref_squeeze %dma_start3A_184 : memref<1x1x128xi32, #tpu.memory_space<hbm>> -> memref<128xi32, #tpu.memory_space<hbm>>
      %dma_start3A_186 = arith.constant 1536 : i32
      %dma_start3A_187 = tpu.memref_slice %arg5[%dma_start3A_186] : memref<2048xi32, #tpu.memory_space<vmem>> -> memref<128xi32, #tpu.memory_space<vmem>>
      %dma_start3A_188 = arith.constant 0 : i32
      %dma_start3A_189 = tpu.memref_slice %arg2[%add3A_180, %select_n3A, %dma_start3A_188] : memref<64x4x128xi32, #tpu.memory_space<hbm>> -> memref<1x1x128xi32, #tpu.memory_space<hbm>>
      %dma_start3A_190 = tpu.memref_squeeze %dma_start3A_189 : memref<1x1x128xi32, #tpu.memory_space<hbm>> -> memref<128xi32, #tpu.memory_space<hbm>>
      tpu.enqueue_dma source(%dma_start3A_190 : memref<128xi32, #tpu.memory_space<hbm>>) target(%dma_start3A_187 : memref<128xi32, #tpu.memory_space<vmem>>) target_semaphore(%arg8 : memref<!tpu.dma_semaphore, #tpu.memory_space<semaphore_mem>>)
      %add3A_191 = arith.constant 13 : i32
      %add3A_192 = arith.addi %mul3A_35, %add3A_191 : i32
      %dma_start3A_193 = arith.constant 1664 : i32
      %dma_start3A_194 = tpu.memref_slice %arg5[%dma_start3A_193] : memref<2048xi32, #tpu.memory_space<vmem>> -> memref<128xi32, #tpu.memory_space<vmem>>
      %dma_start3A_195 = arith.constant 0 : i32
      %dma_start3A_196 = tpu.memref_slice %arg2[%add3A_192, %select_n3A, %dma_start3A_195] : memref<64x4x128xi32, #tpu.memory_space<hbm>> -> memref<1x1x128xi32, #tpu.memory_space<hbm>>
      %dma_start3A_197 = tpu.memref_squeeze %dma_start3A_196 : memref<1x1x128xi32, #tpu.memory_space<hbm>> -> memref<128xi32, #tpu.memory_space<hbm>>
      %dma_start3A_198 = arith.constant 1664 : i32
      %dma_start3A_199 = tpu.memref_slice %arg5[%dma_start3A_198] : memref<2048xi32, #tpu.memory_space<vmem>> -> memref<128xi32, #tpu.memory_space<vmem>>
      %dma_start3A_200 = arith.constant 0 : i32
      %dma_start3A_201 = tpu.memref_slice %arg2[%add3A_192, %select_n3A, %dma_start3A_200] : memref<64x4x128xi32, #tpu.memory_space<hbm>> -> memref<1x1x128xi32, #tpu.memory_space<hbm>>
      %dma_start3A_202 = tpu.memref_squeeze %dma_start3A_201 : memref<1x1x128xi32, #tpu.memory_space<hbm>> -> memref<128xi32, #tpu.memory_space<hbm>>
      tpu.enqueue_dma source(%dma_start3A_202 : memref<128xi32, #tpu.memory_space<hbm>>) target(%dma_start3A_199 : memref<128xi32, #tpu.memory_space<vmem>>) target_semaphore(%arg8 : memref<!tpu.dma_semaphore, #tpu.memory_space<semaphore_mem>>)
      %add3A_203 = arith.constant 14 : i32
      %add3A_204 = arith.addi %mul3A_35, %add3A_203 : i32
      %dma_start3A_205 = arith.constant 1792 : i32
      %dma_start3A_206 = tpu.memref_slice %arg5[%dma_start3A_205] : memref<2048xi32, #tpu.memory_space<vmem>> -> memref<128xi32, #tpu.memory_space<vmem>>
      %dma_start3A_207 = arith.constant 0 : i32
      %dma_start3A_208 = tpu.memref_slice %arg2[%add3A_204, %select_n3A, %dma_start3A_207] : memref<64x4x128xi32, #tpu.memory_space<hbm>> -> memref<1x1x128xi32, #tpu.memory_space<hbm>>
      %dma_start3A_209 = tpu.memref_squeeze %dma_start3A_208 : memref<1x1x128xi32, #tpu.memory_space<hbm>> -> memref<128xi32, #tpu.memory_space<hbm>>
      %dma_start3A_210 = arith.constant 1792 : i32
      %dma_start3A_211 = tpu.memref_slice %arg5[%dma_start3A_210] : memref<2048xi32, #tpu.memory_space<vmem>> -> memref<128xi32, #tpu.memory_space<vmem>>
      %dma_start3A_212 = arith.constant 0 : i32
      %dma_start3A_213 = tpu.memref_slice %arg2[%add3A_204, %select_n3A, %dma_start3A_212] : memref<64x4x128xi32, #tpu.memory_space<hbm>> -> memref<1x1x128xi32, #tpu.memory_space<hbm>>
      %dma_start3A_214 = tpu.memref_squeeze %dma_start3A_213 : memref<1x1x128xi32, #tpu.memory_space<hbm>> -> memref<128xi32, #tpu.memory_space<hbm>>
      tpu.enqueue_dma source(%dma_start3A_214 : memref<128xi32, #tpu.memory_space<hbm>>) target(%dma_start3A_211 : memref<128xi32, #tpu.memory_space<vmem>>) target_semaphore(%arg8 : memref<!tpu.dma_semaphore, #tpu.memory_space<semaphore_mem>>)
      %add3A_215 = arith.constant 15 : i32
      %add3A_216 = arith.addi %mul3A_35, %add3A_215 : i32
      %dma_start3A_217 = arith.constant 1920 : i32
      %dma_start3A_218 = tpu.memref_slice %arg5[%dma_start3A_217] : memref<2048xi32, #tpu.memory_space<vmem>> -> memref<128xi32, #tpu.memory_space<vmem>>
      %dma_start3A_219 = arith.constant 0 : i32
      %dma_start3A_220 = tpu.memref_slice %arg2[%add3A_216, %select_n3A, %dma_start3A_219] : memref<64x4x128xi32, #tpu.memory_space<hbm>> -> memref<1x1x128xi32, #tpu.memory_space<hbm>>
      %dma_start3A_221 = tpu.memref_squeeze %dma_start3A_220 : memref<1x1x128xi32, #tpu.memory_space<hbm>> -> memref<128xi32, #tpu.memory_space<hbm>>
      %dma_start3A_222 = arith.constant 1920 : i32
      %dma_start3A_223 = tpu.memref_slice %arg5[%dma_start3A_222] : memref<2048xi32, #tpu.memory_space<vmem>> -> memref<128xi32, #tpu.memory_space<vmem>>
      %dma_start3A_224 = arith.constant 0 : i32
      %dma_start3A_225 = tpu.memref_slice %arg2[%add3A_216, %select_n3A, %dma_start3A_224] : memref<64x4x128xi32, #tpu.memory_space<hbm>> -> memref<1x1x128xi32, #tpu.memory_space<hbm>>
      %dma_start3A_226 = tpu.memref_squeeze %dma_start3A_225 : memref<1x1x128xi32, #tpu.memory_space<hbm>> -> memref<128xi32, #tpu.memory_space<hbm>>
      tpu.enqueue_dma source(%dma_start3A_226 : memref<128xi32, #tpu.memory_space<hbm>>) target(%dma_start3A_223 : memref<128xi32, #tpu.memory_space<vmem>>) target_semaphore(%arg8 : memref<!tpu.dma_semaphore, #tpu.memory_space<semaphore_mem>>)
      tpu.wait_dma2 semaphore(%arg8 : memref<!tpu.dma_semaphore, #tpu.memory_space<semaphore_mem>>) src(%arg3 : memref<65536xf32, #tpu.memory_space<hbm>>) dst(%arg6 : memref<65536xf32, #tpu.memory_space<vmem>>)
      %dma_wait3A = arith.constant 0 : i32
      %dma_wait3A_227 = tpu.memref_slice %arg5[%dma_wait3A] : memref<2048xi32, #tpu.memory_space<vmem>> -> memref<128xi32, #tpu.memory_space<vmem>>
      %dma_wait3A_228 = arith.constant 0 : i32
      %dma_wait3A_229 = tpu.memref_slice %arg2[%add3A_37, %select_n3A, %dma_wait3A_228] : memref<64x4x128xi32, #tpu.memory_space<hbm>> -> memref<1x1x128xi32, #tpu.memory_space<hbm>>
      %dma_wait3A_230 = tpu.memref_squeeze %dma_wait3A_229 : memref<1x1x128xi32, #tpu.memory_space<hbm>> -> memref<128xi32, #tpu.memory_space<hbm>>
      %dma_wait3A_231 = arith.constant 0 : i32
      %dma_wait3A_232 = tpu.memref_slice %arg5[%dma_wait3A_231] : memref<2048xi32, #tpu.memory_space<vmem>> -> memref<128xi32, #tpu.memory_space<vmem>>
      %dma_wait3A_233 = arith.constant 0 : i32
      %dma_wait3A_234 = tpu.memref_slice %arg2[%add3A_37, %select_n3A, %dma_wait3A_233] : memref<64x4x128xi32, #tpu.memory_space<hbm>> -> memref<1x1x128xi32, #tpu.memory_space<hbm>>
      %dma_wait3A_235 = tpu.memref_squeeze %dma_wait3A_234 : memref<1x1x128xi32, #tpu.memory_space<hbm>> -> memref<128xi32, #tpu.memory_space<hbm>>
      tpu.wait_dma2 semaphore(%arg8 : memref<!tpu.dma_semaphore, #tpu.memory_space<semaphore_mem>>) src(%dma_wait3A_235 : memref<128xi32, #tpu.memory_space<hbm>>) dst(%dma_wait3A_232 : memref<128xi32, #tpu.memory_space<vmem>>)
      %dma_wait3A_236 = arith.constant 128 : i32
      %dma_wait3A_237 = tpu.memref_slice %arg5[%dma_wait3A_236] : memref<2048xi32, #tpu.memory_space<vmem>> -> memref<128xi32, #tpu.memory_space<vmem>>
      %dma_wait3A_238 = arith.constant 0 : i32
      %dma_wait3A_239 = tpu.memref_slice %arg2[%add3A_48, %select_n3A, %dma_wait3A_238] : memref<64x4x128xi32, #tpu.memory_space<hbm>> -> memref<1x1x128xi32, #tpu.memory_space<hbm>>
      %dma_wait3A_240 = tpu.memref_squeeze %dma_wait3A_239 : memref<1x1x128xi32, #tpu.memory_space<hbm>> -> memref<128xi32, #tpu.memory_space<hbm>>
      %dma_wait3A_241 = arith.constant 128 : i32
      %dma_wait3A_242 = tpu.memref_slice %arg5[%dma_wait3A_241] : memref<2048xi32, #tpu.memory_space<vmem>> -> memref<128xi32, #tpu.memory_space<vmem>>
      %dma_wait3A_243 = arith.constant 0 : i32
      %dma_wait3A_244 = tpu.memref_slice %arg2[%add3A_48, %select_n3A, %dma_wait3A_243] : memref<64x4x128xi32, #tpu.memory_space<hbm>> -> memref<1x1x128xi32, #tpu.memory_space<hbm>>
      %dma_wait3A_245 = tpu.memref_squeeze %dma_wait3A_244 : memref<1x1x128xi32, #tpu.memory_space<hbm>> -> memref<128xi32, #tpu.memory_space<hbm>>
      tpu.wait_dma2 semaphore(%arg8 : memref<!tpu.dma_semaphore, #tpu.memory_space<semaphore_mem>>) src(%dma_wait3A_245 : memref<128xi32, #tpu.memory_space<hbm>>) dst(%dma_wait3A_242 : memref<128xi32, #tpu.memory_space<vmem>>)
      %dma_wait3A_246 = arith.constant 256 : i32
      %dma_wait3A_247 = tpu.memref_slice %arg5[%dma_wait3A_246] : memref<2048xi32, #tpu.memory_space<vmem>> -> memref<128xi32, #tpu.memory_space<vmem>>
      %dma_wait3A_248 = arith.constant 0 : i32
      %dma_wait3A_249 = tpu.memref_slice %arg2[%add3A_60, %select_n3A, %dma_wait3A_248] : memref<64x4x128xi32, #tpu.memory_space<hbm>> -> memref<1x1x128xi32, #tpu.memory_space<hbm>>
      %dma_wait3A_250 = tpu.memref_squeeze %dma_wait3A_249 : memref<1x1x128xi32, #tpu.memory_space<hbm>> -> memref<128xi32, #tpu.memory_space<hbm>>
      %dma_wait3A_251 = arith.constant 256 : i32
      %dma_wait3A_252 = tpu.memref_slice %arg5[%dma_wait3A_251] : memref<2048xi32, #tpu.memory_space<vmem>> -> memref<128xi32, #tpu.memory_space<vmem>>
      %dma_wait3A_253 = arith.constant 0 : i32
      %dma_wait3A_254 = tpu.memref_slice %arg2[%add3A_60, %select_n3A, %dma_wait3A_253] : memref<64x4x128xi32, #tpu.memory_space<hbm>> -> memref<1x1x128xi32, #tpu.memory_space<hbm>>
      %dma_wait3A_255 = tpu.memref_squeeze %dma_wait3A_254 : memref<1x1x128xi32, #tpu.memory_space<hbm>> -> memref<128xi32, #tpu.memory_space<hbm>>
      tpu.wait_dma2 semaphore(%arg8 : memref<!tpu.dma_semaphore, #tpu.memory_space<semaphore_mem>>) src(%dma_wait3A_255 : memref<128xi32, #tpu.memory_space<hbm>>) dst(%dma_wait3A_252 : memref<128xi32, #tpu.memory_space<vmem>>)
      %dma_wait3A_256 = arith.constant 384 : i32
      %dma_wait3A_257 = tpu.memref_slice %arg5[%dma_wait3A_256] : memref<2048xi32, #tpu.memory_space<vmem>> -> memref<128xi32, #tpu.memory_space<vmem>>
      %dma_wait3A_258 = arith.constant 0 : i32
      %dma_wait3A_259 = tpu.memref_slice %arg2[%add3A_72, %select_n3A, %dma_wait3A_258] : memref<64x4x128xi32, #tpu.memory_space<hbm>> -> memref<1x1x128xi32, #tpu.memory_space<hbm>>
      %dma_wait3A_260 = tpu.memref_squeeze %dma_wait3A_259 : memref<1x1x128xi32, #tpu.memory_space<hbm>> -> memref<128xi32, #tpu.memory_space<hbm>>
      %dma_wait3A_261 = arith.constant 384 : i32
      %dma_wait3A_262 = tpu.memref_slice %arg5[%dma_wait3A_261] : memref<2048xi32, #tpu.memory_space<vmem>> -> memref<128xi32, #tpu.memory_space<vmem>>
      %dma_wait3A_263 = arith.constant 0 : i32
      %dma_wait3A_264 = tpu.memref_slice %arg2[%add3A_72, %select_n3A, %dma_wait3A_263] : memref<64x4x128xi32, #tpu.memory_space<hbm>> -> memref<1x1x128xi32, #tpu.memory_space<hbm>>
      %dma_wait3A_265 = tpu.memref_squeeze %dma_wait3A_264 : memref<1x1x128xi32, #tpu.memory_space<hbm>> -> memref<128xi32, #tpu.memory_space<hbm>>
      tpu.wait_dma2 semaphore(%arg8 : memref<!tpu.dma_semaphore, #tpu.memory_space<semaphore_mem>>) src(%dma_wait3A_265 : memref<128xi32, #tpu.memory_space<hbm>>) dst(%dma_wait3A_262 : memref<128xi32, #tpu.memory_space<vmem>>)
      %dma_wait3A_266 = arith.constant 512 : i32
      %dma_wait3A_267 = tpu.memref_slice %arg5[%dma_wait3A_266] : memref<2048xi32, #tpu.memory_space<vmem>> -> memref<128xi32, #tpu.memory_space<vmem>>
      %dma_wait3A_268 = arith.constant 0 : i32
      %dma_wait3A_269 = tpu.memref_slice %arg2[%add3A_84, %select_n3A, %dma_wait3A_268] : memref<64x4x128xi32, #tpu.memory_space<hbm>> -> memref<1x1x128xi32, #tpu.memory_space<hbm>>
      %dma_wait3A_270 = tpu.memref_squeeze %dma_wait3A_269 : memref<1x1x128xi32, #tpu.memory_space<hbm>> -> memref<128xi32, #tpu.memory_space<hbm>>
      %dma_wait3A_271 = arith.constant 512 : i32
      %dma_wait3A_272 = tpu.memref_slice %arg5[%dma_wait3A_271] : memref<2048xi32, #tpu.memory_space<vmem>> -> memref<128xi32, #tpu.memory_space<vmem>>
      %dma_wait3A_273 = arith.constant 0 : i32
      %dma_wait3A_274 = tpu.memref_slice %arg2[%add3A_84, %select_n3A, %dma_wait3A_273] : memref<64x4x128xi32, #tpu.memory_space<hbm>> -> memref<1x1x128xi32, #tpu.memory_space<hbm>>
      %dma_wait3A_275 = tpu.memref_squeeze %dma_wait3A_274 : memref<1x1x128xi32, #tpu.memory_space<hbm>> -> memref<128xi32, #tpu.memory_space<hbm>>
      tpu.wait_dma2 semaphore(%arg8 : memref<!tpu.dma_semaphore, #tpu.memory_space<semaphore_mem>>) src(%dma_wait3A_275 : memref<128xi32, #tpu.memory_space<hbm>>) dst(%dma_wait3A_272 : memref<128xi32, #tpu.memory_space<vmem>>)
      %dma_wait3A_276 = arith.constant 640 : i32
      %dma_wait3A_277 = tpu.memref_slice %arg5[%dma_wait3A_276] : memref<2048xi32, #tpu.memory_space<vmem>> -> memref<128xi32, #tpu.memory_space<vmem>>
      %dma_wait3A_278 = arith.constant 0 : i32
      %dma_wait3A_279 = tpu.memref_slice %arg2[%add3A_96, %select_n3A, %dma_wait3A_278] : memref<64x4x128xi32, #tpu.memory_space<hbm>> -> memref<1x1x128xi32, #tpu.memory_space<hbm>>
      %dma_wait3A_280 = tpu.memref_squeeze %dma_wait3A_279 : memref<1x1x128xi32, #tpu.memory_space<hbm>> -> memref<128xi32, #tpu.memory_space<hbm>>
      %dma_wait3A_281 = arith.constant 640 : i32
      %dma_wait3A_282 = tpu.memref_slice %arg5[%dma_wait3A_281] : memref<2048xi32, #tpu.memory_space<vmem>> -> memref<128xi32, #tpu.memory_space<vmem>>
      %dma_wait3A_283 = arith.constant 0 : i32
      %dma_wait3A_284 = tpu.memref_slice %arg2[%add3A_96, %select_n3A, %dma_wait3A_283] : memref<64x4x128xi32, #tpu.memory_space<hbm>> -> memref<1x1x128xi32, #tpu.memory_space<hbm>>
      %dma_wait3A_285 = tpu.memref_squeeze %dma_wait3A_284 : memref<1x1x128xi32, #tpu.memory_space<hbm>> -> memref<128xi32, #tpu.memory_space<hbm>>
      tpu.wait_dma2 semaphore(%arg8 : memref<!tpu.dma_semaphore, #tpu.memory_space<semaphore_mem>>) src(%dma_wait3A_285 : memref<128xi32, #tpu.memory_space<hbm>>) dst(%dma_wait3A_282 : memref<128xi32, #tpu.memory_space<vmem>>)
      %dma_wait3A_286 = arith.constant 768 : i32
      %dma_wait3A_287 = tpu.memref_slice %arg5[%dma_wait3A_286] : memref<2048xi32, #tpu.memory_space<vmem>> -> memref<128xi32, #tpu.memory_space<vmem>>
      %dma_wait3A_288 = arith.constant 0 : i32
      %dma_wait3A_289 = tpu.memref_slice %arg2[%add3A_108, %select_n3A, %dma_wait3A_288] : memref<64x4x128xi32, #tpu.memory_space<hbm>> -> memref<1x1x128xi32, #tpu.memory_space<hbm>>
      %dma_wait3A_290 = tpu.memref_squeeze %dma_wait3A_289 : memref<1x1x128xi32, #tpu.memory_space<hbm>> -> memref<128xi32, #tpu.memory_space<hbm>>
      %dma_wait3A_291 = arith.constant 768 : i32
      %dma_wait3A_292 = tpu.memref_slice %arg5[%dma_wait3A_291] : memref<2048xi32, #tpu.memory_space<vmem>> -> memref<128xi32, #tpu.memory_space<vmem>>
      %dma_wait3A_293 = arith.constant 0 : i32
      %dma_wait3A_294 = tpu.memref_slice %arg2[%add3A_108, %select_n3A, %dma_wait3A_293] : memref<64x4x128xi32, #tpu.memory_space<hbm>> -> memref<1x1x128xi32, #tpu.memory_space<hbm>>
      %dma_wait3A_295 = tpu.memref_squeeze %dma_wait3A_294 : memref<1x1x128xi32, #tpu.memory_space<hbm>> -> memref<128xi32, #tpu.memory_space<hbm>>
      tpu.wait_dma2 semaphore(%arg8 : memref<!tpu.dma_semaphore, #tpu.memory_space<semaphore_mem>>) src(%dma_wait3A_295 : memref<128xi32, #tpu.memory_space<hbm>>) dst(%dma_wait3A_292 : memref<128xi32, #tpu.memory_space<vmem>>)
      %dma_wait3A_296 = arith.constant 896 : i32
      %dma_wait3A_297 = tpu.memref_slice %arg5[%dma_wait3A_296] : memref<2048xi32, #tpu.memory_space<vmem>> -> memref<128xi32, #tpu.memory_space<vmem>>
      %dma_wait3A_298 = arith.constant 0 : i32
      %dma_wait3A_299 = tpu.memref_slice %arg2[%add3A_120, %select_n3A, %dma_wait3A_298] : memref<64x4x128xi32, #tpu.memory_space<hbm>> -> memref<1x1x128xi32, #tpu.memory_space<hbm>>
      %dma_wait3A_300 = tpu.memref_squeeze %dma_wait3A_299 : memref<1x1x128xi32, #tpu.memory_space<hbm>> -> memref<128xi32, #tpu.memory_space<hbm>>
      %dma_wait3A_301 = arith.constant 896 : i32
      %dma_wait3A_302 = tpu.memref_slice %arg5[%dma_wait3A_301] : memref<2048xi32, #tpu.memory_space<vmem>> -> memref<128xi32, #tpu.memory_space<vmem>>
      %dma_wait3A_303 = arith.constant 0 : i32
      %dma_wait3A_304 = tpu.memref_slice %arg2[%add3A_120, %select_n3A, %dma_wait3A_303] : memref<64x4x128xi32, #tpu.memory_space<hbm>> -> memref<1x1x128xi32, #tpu.memory_space<hbm>>
      %dma_wait3A_305 = tpu.memref_squeeze %dma_wait3A_304 : memref<1x1x128xi32, #tpu.memory_space<hbm>> -> memref<128xi32, #tpu.memory_space<hbm>>
      tpu.wait_dma2 semaphore(%arg8 : memref<!tpu.dma_semaphore, #tpu.memory_space<semaphore_mem>>) src(%dma_wait3A_305 : memref<128xi32, #tpu.memory_space<hbm>>) dst(%dma_wait3A_302 : memref<128xi32, #tpu.memory_space<vmem>>)
      %dma_wait3A_306 = arith.constant 1024 : i32
      %dma_wait3A_307 = tpu.memref_slice %arg5[%dma_wait3A_306] : memref<2048xi32, #tpu.memory_space<vmem>> -> memref<128xi32, #tpu.memory_space<vmem>>
      %dma_wait3A_308 = arith.constant 0 : i32
      %dma_wait3A_309 = tpu.memref_slice %arg2[%add3A_132, %select_n3A, %dma_wait3A_308] : memref<64x4x128xi32, #tpu.memory_space<hbm>> -> memref<1x1x128xi32, #tpu.memory_space<hbm>>
      %dma_wait3A_310 = tpu.memref_squeeze %dma_wait3A_309 : memref<1x1x128xi32, #tpu.memory_space<hbm>> -> memref<128xi32, #tpu.memory_space<hbm>>
      %dma_wait3A_311 = arith.constant 1024 : i32
      %dma_wait3A_312 = tpu.memref_slice %arg5[%dma_wait3A_311] : memref<2048xi32, #tpu.memory_space<vmem>> -> memref<128xi32, #tpu.memory_space<vmem>>
      %dma_wait3A_313 = arith.constant 0 : i32
      %dma_wait3A_314 = tpu.memref_slice %arg2[%add3A_132, %select_n3A, %dma_wait3A_313] : memref<64x4x128xi32, #tpu.memory_space<hbm>> -> memref<1x1x128xi32, #tpu.memory_space<hbm>>
      %dma_wait3A_315 = tpu.memref_squeeze %dma_wait3A_314 : memref<1x1x128xi32, #tpu.memory_space<hbm>> -> memref<128xi32, #tpu.memory_space<hbm>>
      tpu.wait_dma2 semaphore(%arg8 : memref<!tpu.dma_semaphore, #tpu.memory_space<semaphore_mem>>) src(%dma_wait3A_315 : memref<128xi32, #tpu.memory_space<hbm>>) dst(%dma_wait3A_312 : memref<128xi32, #tpu.memory_space<vmem>>)
      %dma_wait3A_316 = arith.constant 1152 : i32
      %dma_wait3A_317 = tpu.memref_slice %arg5[%dma_wait3A_316] : memref<2048xi32, #tpu.memory_space<vmem>> -> memref<128xi32, #tpu.memory_space<vmem>>
      %dma_wait3A_318 = arith.constant 0 : i32
      %dma_wait3A_319 = tpu.memref_slice %arg2[%add3A_144, %select_n3A, %dma_wait3A_318] : memref<64x4x128xi32, #tpu.memory_space<hbm>> -> memref<1x1x128xi32, #tpu.memory_space<hbm>>
      %dma_wait3A_320 = tpu.memref_squeeze %dma_wait3A_319 : memref<1x1x128xi32, #tpu.memory_space<hbm>> -> memref<128xi32, #tpu.memory_space<hbm>>
      %dma_wait3A_321 = arith.constant 1152 : i32
      %dma_wait3A_322 = tpu.memref_slice %arg5[%dma_wait3A_321] : memref<2048xi32, #tpu.memory_space<vmem>> -> memref<128xi32, #tpu.memory_space<vmem>>
      %dma_wait3A_323 = arith.constant 0 : i32
      %dma_wait3A_324 = tpu.memref_slice %arg2[%add3A_144, %select_n3A, %dma_wait3A_323] : memref<64x4x128xi32, #tpu.memory_space<hbm>> -> memref<1x1x128xi32, #tpu.memory_space<hbm>>
      %dma_wait3A_325 = tpu.memref_squeeze %dma_wait3A_324 : memref<1x1x128xi32, #tpu.memory_space<hbm>> -> memref<128xi32, #tpu.memory_space<hbm>>
      tpu.wait_dma2 semaphore(%arg8 : memref<!tpu.dma_semaphore, #tpu.memory_space<semaphore_mem>>) src(%dma_wait3A_325 : memref<128xi32, #tpu.memory_space<hbm>>) dst(%dma_wait3A_322 : memref<128xi32, #tpu.memory_space<vmem>>)
      %dma_wait3A_326 = arith.constant 1280 : i32
      %dma_wait3A_327 = tpu.memref_slice %arg5[%dma_wait3A_326] : memref<2048xi32, #tpu.memory_space<vmem>> -> memref<128xi32, #tpu.memory_space<vmem>>
      %dma_wait3A_328 = arith.constant 0 : i32
      %dma_wait3A_329 = tpu.memref_slice %arg2[%add3A_156, %select_n3A, %dma_wait3A_328] : memref<64x4x128xi32, #tpu.memory_space<hbm>> -> memref<1x1x128xi32, #tpu.memory_space<hbm>>
      %dma_wait3A_330 = tpu.memref_squeeze %dma_wait3A_329 : memref<1x1x128xi32, #tpu.memory_space<hbm>> -> memref<128xi32, #tpu.memory_space<hbm>>
      %dma_wait3A_331 = arith.constant 1280 : i32
      %dma_wait3A_332 = tpu.memref_slice %arg5[%dma_wait3A_331] : memref<2048xi32, #tpu.memory_space<vmem>> -> memref<128xi32, #tpu.memory_space<vmem>>
      %dma_wait3A_333 = arith.constant 0 : i32
      %dma_wait3A_334 = tpu.memref_slice %arg2[%add3A_156, %select_n3A, %dma_wait3A_333] : memref<64x4x128xi32, #tpu.memory_space<hbm>> -> memref<1x1x128xi32, #tpu.memory_space<hbm>>
      %dma_wait3A_335 = tpu.memref_squeeze %dma_wait3A_334 : memref<1x1x128xi32, #tpu.memory_space<hbm>> -> memref<128xi32, #tpu.memory_space<hbm>>
      tpu.wait_dma2 semaphore(%arg8 : memref<!tpu.dma_semaphore, #tpu.memory_space<semaphore_mem>>) src(%dma_wait3A_335 : memref<128xi32, #tpu.memory_space<hbm>>) dst(%dma_wait3A_332 : memref<128xi32, #tpu.memory_space<vmem>>)
      %dma_wait3A_336 = arith.constant 1408 : i32
      %dma_wait3A_337 = tpu.memref_slice %arg5[%dma_wait3A_336] : memref<2048xi32, #tpu.memory_space<vmem>> -> memref<128xi32, #tpu.memory_space<vmem>>
      %dma_wait3A_338 = arith.constant 0 : i32
      %dma_wait3A_339 = tpu.memref_slice %arg2[%add3A_168, %select_n3A, %dma_wait3A_338] : memref<64x4x128xi32, #tpu.memory_space<hbm>> -> memref<1x1x128xi32, #tpu.memory_space<hbm>>
      %dma_wait3A_340 = tpu.memref_squeeze %dma_wait3A_339 : memref<1x1x128xi32, #tpu.memory_space<hbm>> -> memref<128xi32, #tpu.memory_space<hbm>>
      %dma_wait3A_341 = arith.constant 1408 : i32
      %dma_wait3A_342 = tpu.memref_slice %arg5[%dma_wait3A_341] : memref<2048xi32, #tpu.memory_space<vmem>> -> memref<128xi32, #tpu.memory_space<vmem>>
      %dma_wait3A_343 = arith.constant 0 : i32
      %dma_wait3A_344 = tpu.memref_slice %arg2[%add3A_168, %select_n3A, %dma_wait3A_343] : memref<64x4x128xi32, #tpu.memory_space<hbm>> -> memref<1x1x128xi32, #tpu.memory_space<hbm>>
      %dma_wait3A_345 = tpu.memref_squeeze %dma_wait3A_344 : memref<1x1x128xi32, #tpu.memory_space<hbm>> -> memref<128xi32, #tpu.memory_space<hbm>>
      tpu.wait_dma2 semaphore(%arg8 : memref<!tpu.dma_semaphore, #tpu.memory_space<semaphore_mem>>) src(%dma_wait3A_345 : memref<128xi32, #tpu.memory_space<hbm>>) dst(%dma_wait3A_342 : memref<128xi32, #tpu.memory_space<vmem>>)
      %dma_wait3A_346 = arith.constant 1536 : i32
      %dma_wait3A_347 = tpu.memref_slice %arg5[%dma_wait3A_346] : memref<2048xi32, #tpu.memory_space<vmem>> -> memref<128xi32, #tpu.memory_space<vmem>>
      %dma_wait3A_348 = arith.constant 0 : i32
      %dma_wait3A_349 = tpu.memref_slice %arg2[%add3A_180, %select_n3A, %dma_wait3A_348] : memref<64x4x128xi32, #tpu.memory_space<hbm>> -> memref<1x1x128xi32, #tpu.memory_space<hbm>>
      %dma_wait3A_350 = tpu.memref_squeeze %dma_wait3A_349 : memref<1x1x128xi32, #tpu.memory_space<hbm>> -> memref<128xi32, #tpu.memory_space<hbm>>
      %dma_wait3A_351 = arith.constant 1536 : i32
      %dma_wait3A_352 = tpu.memref_slice %arg5[%dma_wait3A_351] : memref<2048xi32, #tpu.memory_space<vmem>> -> memref<128xi32, #tpu.memory_space<vmem>>
      %dma_wait3A_353 = arith.constant 0 : i32
      %dma_wait3A_354 = tpu.memref_slice %arg2[%add3A_180, %select_n3A, %dma_wait3A_353] : memref<64x4x128xi32, #tpu.memory_space<hbm>> -> memref<1x1x128xi32, #tpu.memory_space<hbm>>
      %dma_wait3A_355 = tpu.memref_squeeze %dma_wait3A_354 : memref<1x1x128xi32, #tpu.memory_space<hbm>> -> memref<128xi32, #tpu.memory_space<hbm>>
      tpu.wait_dma2 semaphore(%arg8 : memref<!tpu.dma_semaphore, #tpu.memory_space<semaphore_mem>>) src(%dma_wait3A_355 : memref<128xi32, #tpu.memory_space<hbm>>) dst(%dma_wait3A_352 : memref<128xi32, #tpu.memory_space<vmem>>)
      %dma_wait3A_356 = arith.constant 1664 : i32
      %dma_wait3A_357 = tpu.memref_slice %arg5[%dma_wait3A_356] : memref<2048xi32, #tpu.memory_space<vmem>> -> memref<128xi32, #tpu.memory_space<vmem>>
      %dma_wait3A_358 = arith.constant 0 : i32
      %dma_wait3A_359 = tpu.memref_slice %arg2[%add3A_192, %select_n3A, %dma_wait3A_358] : memref<64x4x128xi32, #tpu.memory_space<hbm>> -> memref<1x1x128xi32, #tpu.memory_space<hbm>>
      %dma_wait3A_360 = tpu.memref_squeeze %dma_wait3A_359 : memref<1x1x128xi32, #tpu.memory_space<hbm>> -> memref<128xi32, #tpu.memory_space<hbm>>
      %dma_wait3A_361 = arith.constant 1664 : i32
      %dma_wait3A_362 = tpu.memref_slice %arg5[%dma_wait3A_361] : memref<2048xi32, #tpu.memory_space<vmem>> -> memref<128xi32, #tpu.memory_space<vmem>>
      %dma_wait3A_363 = arith.constant 0 : i32
      %dma_wait3A_364 = tpu.memref_slice %arg2[%add3A_192, %select_n3A, %dma_wait3A_363] : memref<64x4x128xi32, #tpu.memory_space<hbm>> -> memref<1x1x128xi32, #tpu.memory_space<hbm>>
      %dma_wait3A_365 = tpu.memref_squeeze %dma_wait3A_364 : memref<1x1x128xi32, #tpu.memory_space<hbm>> -> memref<128xi32, #tpu.memory_space<hbm>>
      tpu.wait_dma2 semaphore(%arg8 : memref<!tpu.dma_semaphore, #tpu.memory_space<semaphore_mem>>) src(%dma_wait3A_365 : memref<128xi32, #tpu.memory_space<hbm>>) dst(%dma_wait3A_362 : memref<128xi32, #tpu.memory_space<vmem>>)
      %dma_wait3A_366 = arith.constant 1792 : i32
      %dma_wait3A_367 = tpu.memref_slice %arg5[%dma_wait3A_366] : memref<2048xi32, #tpu.memory_space<vmem>> -> memref<128xi32, #tpu.memory_space<vmem>>
      %dma_wait3A_368 = arith.constant 0 : i32
      %dma_wait3A_369 = tpu.memref_slice %arg2[%add3A_204, %select_n3A, %dma_wait3A_368] : memref<64x4x128xi32, #tpu.memory_space<hbm>> -> memref<1x1x128xi32, #tpu.memory_space<hbm>>
      %dma_wait3A_370 = tpu.memref_squeeze %dma_wait3A_369 : memref<1x1x128xi32, #tpu.memory_space<hbm>> -> memref<128xi32, #tpu.memory_space<hbm>>
      %dma_wait3A_371 = arith.constant 1792 : i32
      %dma_wait3A_372 = tpu.memref_slice %arg5[%dma_wait3A_371] : memref<2048xi32, #tpu.memory_space<vmem>> -> memref<128xi32, #tpu.memory_space<vmem>>
      %dma_wait3A_373 = arith.constant 0 : i32
      %dma_wait3A_374 = tpu.memref_slice %arg2[%add3A_204, %select_n3A, %dma_wait3A_373] : memref<64x4x128xi32, #tpu.memory_space<hbm>> -> memref<1x1x128xi32, #tpu.memory_space<hbm>>
      %dma_wait3A_375 = tpu.memref_squeeze %dma_wait3A_374 : memref<1x1x128xi32, #tpu.memory_space<hbm>> -> memref<128xi32, #tpu.memory_space<hbm>>
      tpu.wait_dma2 semaphore(%arg8 : memref<!tpu.dma_semaphore, #tpu.memory_space<semaphore_mem>>) src(%dma_wait3A_375 : memref<128xi32, #tpu.memory_space<hbm>>) dst(%dma_wait3A_372 : memref<128xi32, #tpu.memory_space<vmem>>)
      %dma_wait3A_376 = arith.constant 1920 : i32
      %dma_wait3A_377 = tpu.memref_slice %arg5[%dma_wait3A_376] : memref<2048xi32, #tpu.memory_space<vmem>> -> memref<128xi32, #tpu.memory_space<vmem>>
      %dma_wait3A_378 = arith.constant 0 : i32
      %dma_wait3A_379 = tpu.memref_slice %arg2[%add3A_216, %select_n3A, %dma_wait3A_378] : memref<64x4x128xi32, #tpu.memory_space<hbm>> -> memref<1x1x128xi32, #tpu.memory_space<hbm>>
      %dma_wait3A_380 = tpu.memref_squeeze %dma_wait3A_379 : memref<1x1x128xi32, #tpu.memory_space<hbm>> -> memref<128xi32, #tpu.memory_space<hbm>>
      %dma_wait3A_381 = arith.constant 1920 : i32
      %dma_wait3A_382 = tpu.memref_slice %arg5[%dma_wait3A_381] : memref<2048xi32, #tpu.memory_space<vmem>> -> memref<128xi32, #tpu.memory_space<vmem>>
      %dma_wait3A_383 = arith.constant 0 : i32
      %dma_wait3A_384 = tpu.memref_slice %arg2[%add3A_216, %select_n3A, %dma_wait3A_383] : memref<64x4x128xi32, #tpu.memory_space<hbm>> -> memref<1x1x128xi32, #tpu.memory_space<hbm>>
      %dma_wait3A_385 = tpu.memref_squeeze %dma_wait3A_384 : memref<1x1x128xi32, #tpu.memory_space<hbm>> -> memref<128xi32, #tpu.memory_space<hbm>>
      tpu.wait_dma2 semaphore(%arg8 : memref<!tpu.dma_semaphore, #tpu.memory_space<semaphore_mem>>) src(%dma_wait3A_385 : memref<128xi32, #tpu.memory_space<hbm>>) dst(%dma_wait3A_382 : memref<128xi32, #tpu.memory_space<vmem>>)
      %scan3A = arith.constant 0 : i32
      %scan3A_386 = arith.constant 64 : i32
      %scan3A_387 = arith.addi %scan3A, %scan3A_386 : i32
      %scan3A_388 = arith.constant 1 : i32
      scf.for %scan3A_417 = %scan3A to %scan3A_387 step %scan3A_388  : i32 {
        %mul3A_418 = arith.constant 16 : i32
        %mul3A_419 = arith.muli %scan3A_417, %mul3A_418 : i32
        %multiple_of3A = tpu.assume_multiple %mul3A_419, 16 : i32
        %get3A = arith.index_cast %multiple_of3A : i32 to index
        %get3A_420 = tpu.vector_load %arg5[%get3A] {strides = array<i32>} : memref<2048xi32, #tpu.memory_space<vmem>>, vector<16xi32>,
        %shift_right_logical3A = arith.constant 7 : i32
        %shift_right_logical3A_421 = vector.broadcast %shift_right_logical3A : i32 to vector<16xi32>
        %shift_right_logical3A_422 = arith.shrui %get3A_420, %shift_right_logical3A_421 : vector<16xi32>
        %mul3A_423 = arith.constant 896 : i32
        %mul3A_424 = vector.broadcast %mul3A_423 : i32 to vector<16xi32>
        %mul3A_425 = arith.muli %shift_right_logical3A_422, %mul3A_424 : vector<16xi32>
        %add3A_426 = arith.addi %get3A_420, %mul3A_425 : vector<16xi32>
        %shift_right_arithmetic3A = arith.constant 3 : i32
        %shift_right_arithmetic3A_427 = arith.shrsi %scan3A_417, %shift_right_arithmetic3A : i32
        %mul3A_428 = arith.constant 1024 : i32
        %mul3A_429 = arith.muli %shift_right_arithmetic3A_427, %mul3A_428 : i32
        %and3A_430 = arith.constant 7 : i32
        %and3A_431 = arith.andi %scan3A_417, %and3A_430 : i32
        %mul3A_432 = arith.constant 16 : i32
        %mul3A_433 = arith.muli %and3A_431, %mul3A_432 : i32
        %add3A_434 = arith.addi %mul3A_429, %mul3A_433 : i32
        %add3A_435 = arith.constant 0 : i32
        %add3A_436 = vector.broadcast %add3A_435 : i32 to vector<16xi32>
        %add3A_437 = arith.addi %add3A_426, %add3A_436 : vector<16xi32>
        %gather3A = tpu.vector_load_idx %arg6[%add3A_437] : memref<65536xf32, #tpu.memory_space<vmem>>[vector<16xi32>], vector<16xf32>,
        %add3A_438 = arith.constant 0 : i32
        %add3A_439 = arith.addi %add3A_434, %add3A_438 : i32
        %multiple_of3A_440 = tpu.assume_multiple %add3A_439, 16 : i32
        %swap3A = arith.index_cast %multiple_of3A_440 : i32 to index
        %swap3A_441 = tpu.vector_load %arg7[%swap3A] {strides = array<i32>} : memref<16384xf32, #tpu.memory_space<vmem>>, vector<16xf32>,
        tpu.vector_store %arg7[%swap3A], %gather3A {strides = array<i32>} : memref<16384xf32, #tpu.memory_space<vmem>>, vector<16xf32>,
        %add3A_442 = arith.constant 128 : i32
        %add3A_443 = vector.broadcast %add3A_442 : i32 to vector<16xi32>
        %add3A_444 = arith.addi %add3A_426, %add3A_443 : vector<16xi32>
        %gather3A_445 = tpu.vector_load_idx %arg6[%add3A_444] : memref<65536xf32, #tpu.memory_space<vmem>>[vector<16xi32>], vector<16xf32>,
        %add3A_446 = arith.constant 128 : i32
        %add3A_447 = arith.addi %add3A_434, %add3A_446 : i32
        %multiple_of3A_448 = tpu.assume_multiple %add3A_447, 16 : i32
        %swap3A_449 = arith.index_cast %multiple_of3A_448 : i32 to index
        %swap3A_450 = tpu.vector_load %arg7[%swap3A_449] {strides = array<i32>} : memref<16384xf32, #tpu.memory_space<vmem>>, vector<16xf32>,
        tpu.vector_store %arg7[%swap3A_449], %gather3A_445 {strides = array<i32>} : memref<16384xf32, #tpu.memory_space<vmem>>, vector<16xf32>,
        %add3A_451 = arith.constant 256 : i32
        %add3A_452 = vector.broadcast %add3A_451 : i32 to vector<16xi32>
        %add3A_453 = arith.addi %add3A_426, %add3A_452 : vector<16xi32>
        %gather3A_454 = tpu.vector_load_idx %arg6[%add3A_453] : memref<65536xf32, #tpu.memory_space<vmem>>[vector<16xi32>], vector<16xf32>,
        %add3A_455 = arith.constant 256 : i32
        %add3A_456 = arith.addi %add3A_434, %add3A_455 : i32
        %multiple_of3A_457 = tpu.assume_multiple %add3A_456, 16 : i32
        %swap3A_458 = arith.index_cast %multiple_of3A_457 : i32 to index
        %swap3A_459 = tpu.vector_load %arg7[%swap3A_458] {strides = array<i32>} : memref<16384xf32, #tpu.memory_space<vmem>>, vector<16xf32>,
        tpu.vector_store %arg7[%swap3A_458], %gather3A_454 {strides = array<i32>} : memref<16384xf32, #tpu.memory_space<vmem>>, vector<16xf32>,
        %add3A_460 = arith.constant 384 : i32
        %add3A_461 = vector.broadcast %add3A_460 : i32 to vector<16xi32>
        %add3A_462 = arith.addi %add3A_426, %add3A_461 : vector<16xi32>
        %gather3A_463 = tpu.vector_load_idx %arg6[%add3A_462] : memref<65536xf32, #tpu.memory_space<vmem>>[vector<16xi32>], vector<16xf32>,
        %add3A_464 = arith.constant 384 : i32
        %add3A_465 = arith.addi %add3A_434, %add3A_464 : i32
        %multiple_of3A_466 = tpu.assume_multiple %add3A_465, 16 : i32
        %swap3A_467 = arith.index_cast %multiple_of3A_466 : i32 to index
        %swap3A_468 = tpu.vector_load %arg7[%swap3A_467] {strides = array<i32>} : memref<16384xf32, #tpu.memory_space<vmem>>, vector<16xf32>,
        tpu.vector_store %arg7[%swap3A_467], %gather3A_463 {strides = array<i32>} : memref<16384xf32, #tpu.memory_space<vmem>>, vector<16xf32>,
        %add3A_469 = arith.constant 512 : i32
        %add3A_470 = vector.broadcast %add3A_469 : i32 to vector<16xi32>
        %add3A_471 = arith.addi %add3A_426, %add3A_470 : vector<16xi32>
        %gather3A_472 = tpu.vector_load_idx %arg6[%add3A_471] : memref<65536xf32, #tpu.memory_space<vmem>>[vector<16xi32>], vector<16xf32>,
        %add3A_473 = arith.constant 512 : i32
        %add3A_474 = arith.addi %add3A_434, %add3A_473 : i32
        %multiple_of3A_475 = tpu.assume_multiple %add3A_474, 16 : i32
        %swap3A_476 = arith.index_cast %multiple_of3A_475 : i32 to index
        %swap3A_477 = tpu.vector_load %arg7[%swap3A_476] {strides = array<i32>} : memref<16384xf32, #tpu.memory_space<vmem>>, vector<16xf32>,
        tpu.vector_store %arg7[%swap3A_476], %gather3A_472 {strides = array<i32>} : memref<16384xf32, #tpu.memory_space<vmem>>, vector<16xf32>,
        %add3A_478 = arith.constant 640 : i32
        %add3A_479 = vector.broadcast %add3A_478 : i32 to vector<16xi32>
        %add3A_480 = arith.addi %add3A_426, %add3A_479 : vector<16xi32>
        %gather3A_481 = tpu.vector_load_idx %arg6[%add3A_480] : memref<65536xf32, #tpu.memory_space<vmem>>[vector<16xi32>], vector<16xf32>,
        %add3A_482 = arith.constant 640 : i32
        %add3A_483 = arith.addi %add3A_434, %add3A_482 : i32
        %multiple_of3A_484 = tpu.assume_multiple %add3A_483, 16 : i32
        %swap3A_485 = arith.index_cast %multiple_of3A_484 : i32 to index
        %swap3A_486 = tpu.vector_load %arg7[%swap3A_485] {strides = array<i32>} : memref<16384xf32, #tpu.memory_space<vmem>>, vector<16xf32>,
        tpu.vector_store %arg7[%swap3A_485], %gather3A_481 {strides = array<i32>} : memref<16384xf32, #tpu.memory_space<vmem>>, vector<16xf32>,
        %add3A_487 = arith.constant 768 : i32
        %add3A_488 = vector.broadcast %add3A_487 : i32 to vector<16xi32>
        %add3A_489 = arith.addi %add3A_426, %add3A_488 : vector<16xi32>
        %gather3A_490 = tpu.vector_load_idx %arg6[%add3A_489] : memref<65536xf32, #tpu.memory_space<vmem>>[vector<16xi32>], vector<16xf32>,
        %add3A_491 = arith.constant 768 : i32
        %add3A_492 = arith.addi %add3A_434, %add3A_491 : i32
        %multiple_of3A_493 = tpu.assume_multiple %add3A_492, 16 : i32
        %swap3A_494 = arith.index_cast %multiple_of3A_493 : i32 to index
        %swap3A_495 = tpu.vector_load %arg7[%swap3A_494] {strides = array<i32>} : memref<16384xf32, #tpu.memory_space<vmem>>, vector<16xf32>,
        tpu.vector_store %arg7[%swap3A_494], %gather3A_490 {strides = array<i32>} : memref<16384xf32, #tpu.memory_space<vmem>>, vector<16xf32>,
        %add3A_496 = arith.constant 896 : i32
        %add3A_497 = vector.broadcast %add3A_496 : i32 to vector<16xi32>
        %add3A_498 = arith.addi %add3A_426, %add3A_497 : vector<16xi32>
        %gather3A_499 = tpu.vector_load_idx %arg6[%add3A_498] : memref<65536xf32, #tpu.memory_space<vmem>>[vector<16xi32>], vector<16xf32>,
        %add3A_500 = arith.constant 896 : i32
        %add3A_501 = arith.addi %add3A_434, %add3A_500 : i32
        %multiple_of3A_502 = tpu.assume_multiple %add3A_501, 16 : i32
        %swap3A_503 = arith.index_cast %multiple_of3A_502 : i32 to index
        %swap3A_504 = tpu.vector_load %arg7[%swap3A_503] {strides = array<i32>} : memref<16384xf32, #tpu.memory_space<vmem>>, vector<16xf32>,
        tpu.vector_store %arg7[%swap3A_503], %gather3A_499 {strides = array<i32>} : memref<16384xf32, #tpu.memory_space<vmem>>, vector<16xf32>,
      }
      %scan3A_389 = arith.constant 64 : i32
      %mul3A_390 = arith.constant 1024 : i32
      %mul3A_391 = arith.muli %mul3A_35, %mul3A_390 : i32
      %dma_start3A_392 = arith.constant 0 : i32
      %dma_start3A_393 = tpu.memref_slice %arg7[%dma_start3A_392] : memref<16384xf32, #tpu.memory_space<vmem>> -> memref<8192xf32, #tpu.memory_space<vmem>>
      %dma_start3A_394 = tpu.memref_slice %arg4[%select_n3A, %mul3A_391] : memref<4x65536xf32, #tpu.memory_space<hbm>> -> memref<1x8192xf32, #tpu.memory_space<hbm>>
      %dma_start3A_395 = tpu.memref_squeeze %dma_start3A_394 : memref<1x8192xf32, #tpu.memory_space<hbm>> -> memref<8192xf32, #tpu.memory_space<hbm>>
      %dma_start3A_396 = tpu.memref_slice %arg4[%select_n3A, %mul3A_391] : memref<4x65536xf32, #tpu.memory_space<hbm>> -> memref<1x8192xf32, #tpu.memory_space<hbm>>
      %dma_start3A_397 = tpu.memref_squeeze %dma_start3A_396 : memref<1x8192xf32, #tpu.memory_space<hbm>> -> memref<8192xf32, #tpu.memory_space<hbm>>
      %dma_start3A_398 = arith.constant 0 : i32
      %dma_start3A_399 = tpu.memref_slice %arg7[%dma_start3A_398] : memref<16384xf32, #tpu.memory_space<vmem>> -> memref<8192xf32, #tpu.memory_space<vmem>>
      tpu.enqueue_dma source(%dma_start3A_399 : memref<8192xf32, #tpu.memory_space<vmem>>) target(%dma_start3A_397 : memref<8192xf32, #tpu.memory_space<hbm>>) target_semaphore(%arg9 : memref<!tpu.dma_semaphore, #tpu.memory_space<semaphore_mem>>)
      %scan3A_400 = arith.constant 64 : i32
      %scan3A_401 = arith.constant 64 : i32
      %scan3A_402 = arith.addi %scan3A_400, %scan3A_401 : i32
      %scan3A_403 = arith.constant 1 : i32
      scf.for %scan3A_417 = %scan3A_400 to %scan3A_402 step %scan3A_403  : i32 {
        %mul3A_418 = arith.constant 16 : i32
        %mul3A_419 = arith.muli %scan3A_417, %mul3A_418 : i32
        %multiple_of3A = tpu.assume_multiple %mul3A_419, 16 : i32
        %get3A = arith.index_cast %multiple_of3A : i32 to index
        %get3A_420 = tpu.vector_load %arg5[%get3A] {strides = array<i32>} : memref<2048xi32, #tpu.memory_space<vmem>>, vector<16xi32>,
        %shift_right_logical3A = arith.constant 7 : i32
        %shift_right_logical3A_421 = vector.broadcast %shift_right_logical3A : i32 to vector<16xi32>
        %shift_right_logical3A_422 = arith.shrui %get3A_420, %shift_right_logical3A_421 : vector<16xi32>
        %mul3A_423 = arith.constant 896 : i32
        %mul3A_424 = vector.broadcast %mul3A_423 : i32 to vector<16xi32>
        %mul3A_425 = arith.muli %shift_right_logical3A_422, %mul3A_424 : vector<16xi32>
        %add3A_426 = arith.addi %get3A_420, %mul3A_425 : vector<16xi32>
        %shift_right_arithmetic3A = arith.constant 3 : i32
        %shift_right_arithmetic3A_427 = arith.shrsi %scan3A_417, %shift_right_arithmetic3A : i32
        %mul3A_428 = arith.constant 1024 : i32
        %mul3A_429 = arith.muli %shift_right_arithmetic3A_427, %mul3A_428 : i32
        %and3A_430 = arith.constant 7 : i32
        %and3A_431 = arith.andi %scan3A_417, %and3A_430 : i32
        %mul3A_432 = arith.constant 16 : i32
        %mul3A_433 = arith.muli %and3A_431, %mul3A_432 : i32
        %add3A_434 = arith.addi %mul3A_429, %mul3A_433 : i32
        %add3A_435 = arith.constant 0 : i32
        %add3A_436 = vector.broadcast %add3A_435 : i32 to vector<16xi32>
        %add3A_437 = arith.addi %add3A_426, %add3A_436 : vector<16xi32>
        %gather3A = tpu.vector_load_idx %arg6[%add3A_437] : memref<65536xf32, #tpu.memory_space<vmem>>[vector<16xi32>], vector<16xf32>,
        %add3A_438 = arith.constant 0 : i32
        %add3A_439 = arith.addi %add3A_434, %add3A_438 : i32
        %multiple_of3A_440 = tpu.assume_multiple %add3A_439, 16 : i32
        %swap3A = arith.index_cast %multiple_of3A_440 : i32 to index
        %swap3A_441 = tpu.vector_load %arg7[%swap3A] {strides = array<i32>} : memref<16384xf32, #tpu.memory_space<vmem>>, vector<16xf32>,
        tpu.vector_store %arg7[%swap3A], %gather3A {strides = array<i32>} : memref<16384xf32, #tpu.memory_space<vmem>>, vector<16xf32>,
        %add3A_442 = arith.constant 128 : i32
        %add3A_443 = vector.broadcast %add3A_442 : i32 to vector<16xi32>
        %add3A_444 = arith.addi %add3A_426, %add3A_443 : vector<16xi32>
        %gather3A_445 = tpu.vector_load_idx %arg6[%add3A_444] : memref<65536xf32, #tpu.memory_space<vmem>>[vector<16xi32>], vector<16xf32>,
        %add3A_446 = arith.constant 128 : i32
        %add3A_447 = arith.addi %add3A_434, %add3A_446 : i32
        %multiple_of3A_448 = tpu.assume_multiple %add3A_447, 16 : i32
        %swap3A_449 = arith.index_cast %multiple_of3A_448 : i32 to index
        %swap3A_450 = tpu.vector_load %arg7[%swap3A_449] {strides = array<i32>} : memref<16384xf32, #tpu.memory_space<vmem>>, vector<16xf32>,
        tpu.vector_store %arg7[%swap3A_449], %gather3A_445 {strides = array<i32>} : memref<16384xf32, #tpu.memory_space<vmem>>, vector<16xf32>,
        %add3A_451 = arith.constant 256 : i32
        %add3A_452 = vector.broadcast %add3A_451 : i32 to vector<16xi32>
        %add3A_453 = arith.addi %add3A_426, %add3A_452 : vector<16xi32>
        %gather3A_454 = tpu.vector_load_idx %arg6[%add3A_453] : memref<65536xf32, #tpu.memory_space<vmem>>[vector<16xi32>], vector<16xf32>,
        %add3A_455 = arith.constant 256 : i32
        %add3A_456 = arith.addi %add3A_434, %add3A_455 : i32
        %multiple_of3A_457 = tpu.assume_multiple %add3A_456, 16 : i32
        %swap3A_458 = arith.index_cast %multiple_of3A_457 : i32 to index
        %swap3A_459 = tpu.vector_load %arg7[%swap3A_458] {strides = array<i32>} : memref<16384xf32, #tpu.memory_space<vmem>>, vector<16xf32>,
        tpu.vector_store %arg7[%swap3A_458], %gather3A_454 {strides = array<i32>} : memref<16384xf32, #tpu.memory_space<vmem>>, vector<16xf32>,
        %add3A_460 = arith.constant 384 : i32
        %add3A_461 = vector.broadcast %add3A_460 : i32 to vector<16xi32>
        %add3A_462 = arith.addi %add3A_426, %add3A_461 : vector<16xi32>
        %gather3A_463 = tpu.vector_load_idx %arg6[%add3A_462] : memref<65536xf32, #tpu.memory_space<vmem>>[vector<16xi32>], vector<16xf32>,
        %add3A_464 = arith.constant 384 : i32
        %add3A_465 = arith.addi %add3A_434, %add3A_464 : i32
        %multiple_of3A_466 = tpu.assume_multiple %add3A_465, 16 : i32
        %swap3A_467 = arith.index_cast %multiple_of3A_466 : i32 to index
        %swap3A_468 = tpu.vector_load %arg7[%swap3A_467] {strides = array<i32>} : memref<16384xf32, #tpu.memory_space<vmem>>, vector<16xf32>,
        tpu.vector_store %arg7[%swap3A_467], %gather3A_463 {strides = array<i32>} : memref<16384xf32, #tpu.memory_space<vmem>>, vector<16xf32>,
        %add3A_469 = arith.constant 512 : i32
        %add3A_470 = vector.broadcast %add3A_469 : i32 to vector<16xi32>
        %add3A_471 = arith.addi %add3A_426, %add3A_470 : vector<16xi32>
        %gather3A_472 = tpu.vector_load_idx %arg6[%add3A_471] : memref<65536xf32, #tpu.memory_space<vmem>>[vector<16xi32>], vector<16xf32>,
        %add3A_473 = arith.constant 512 : i32
        %add3A_474 = arith.addi %add3A_434, %add3A_473 : i32
        %multiple_of3A_475 = tpu.assume_multiple %add3A_474, 16 : i32
        %swap3A_476 = arith.index_cast %multiple_of3A_475 : i32 to index
        %swap3A_477 = tpu.vector_load %arg7[%swap3A_476] {strides = array<i32>} : memref<16384xf32, #tpu.memory_space<vmem>>, vector<16xf32>,
        tpu.vector_store %arg7[%swap3A_476], %gather3A_472 {strides = array<i32>} : memref<16384xf32, #tpu.memory_space<vmem>>, vector<16xf32>,
        %add3A_478 = arith.constant 640 : i32
        %add3A_479 = vector.broadcast %add3A_478 : i32 to vector<16xi32>
        %add3A_480 = arith.addi %add3A_426, %add3A_479 : vector<16xi32>
        %gather3A_481 = tpu.vector_load_idx %arg6[%add3A_480] : memref<65536xf32, #tpu.memory_space<vmem>>[vector<16xi32>], vector<16xf32>,
        %add3A_482 = arith.constant 640 : i32
        %add3A_483 = arith.addi %add3A_434, %add3A_482 : i32
        %multiple_of3A_484 = tpu.assume_multiple %add3A_483, 16 : i32
        %swap3A_485 = arith.index_cast %multiple_of3A_484 : i32 to index
        %swap3A_486 = tpu.vector_load %arg7[%swap3A_485] {strides = array<i32>} : memref<16384xf32, #tpu.memory_space<vmem>>, vector<16xf32>,
        tpu.vector_store %arg7[%swap3A_485], %gather3A_481 {strides = array<i32>} : memref<16384xf32, #tpu.memory_space<vmem>>, vector<16xf32>,
        %add3A_487 = arith.constant 768 : i32
        %add3A_488 = vector.broadcast %add3A_487 : i32 to vector<16xi32>
        %add3A_489 = arith.addi %add3A_426, %add3A_488 : vector<16xi32>
        %gather3A_490 = tpu.vector_load_idx %arg6[%add3A_489] : memref<65536xf32, #tpu.memory_space<vmem>>[vector<16xi32>], vector<16xf32>,
        %add3A_491 = arith.constant 768 : i32
        %add3A_492 = arith.addi %add3A_434, %add3A_491 : i32
        %multiple_of3A_493 = tpu.assume_multiple %add3A_492, 16 : i32
        %swap3A_494 = arith.index_cast %multiple_of3A_493 : i32 to index
        %swap3A_495 = tpu.vector_load %arg7[%swap3A_494] {strides = array<i32>} : memref<16384xf32, #tpu.memory_space<vmem>>, vector<16xf32>,
        tpu.vector_store %arg7[%swap3A_494], %gather3A_490 {strides = array<i32>} : memref<16384xf32, #tpu.memory_space<vmem>>, vector<16xf32>,
        %add3A_496 = arith.constant 896 : i32
        %add3A_497 = vector.broadcast %add3A_496 : i32 to vector<16xi32>
        %add3A_498 = arith.addi %add3A_426, %add3A_497 : vector<16xi32>
        %gather3A_499 = tpu.vector_load_idx %arg6[%add3A_498] : memref<65536xf32, #tpu.memory_space<vmem>>[vector<16xi32>], vector<16xf32>,
        %add3A_500 = arith.constant 896 : i32
        %add3A_501 = arith.addi %add3A_434, %add3A_500 : i32
        %multiple_of3A_502 = tpu.assume_multiple %add3A_501, 16 : i32
        %swap3A_503 = arith.index_cast %multiple_of3A_502 : i32 to index
        %swap3A_504 = tpu.vector_load %arg7[%swap3A_503] {strides = array<i32>} : memref<16384xf32, #tpu.memory_space<vmem>>, vector<16xf32>,
        tpu.vector_store %arg7[%swap3A_503], %gather3A_499 {strides = array<i32>} : memref<16384xf32, #tpu.memory_space<vmem>>, vector<16xf32>,
      }
      %scan3A_404 = arith.constant 64 : i32
      %dma_wait3A_405 = arith.constant 0 : i32
      %dma_wait3A_406 = tpu.memref_slice %arg7[%dma_wait3A_405] : memref<16384xf32, #tpu.memory_space<vmem>> -> memref<8192xf32, #tpu.memory_space<vmem>>
      %dma_wait3A_407 = tpu.memref_slice %arg4[%select_n3A, %mul3A_391] : memref<4x65536xf32, #tpu.memory_space<hbm>> -> memref<1x8192xf32, #tpu.memory_space<hbm>>
      %dma_wait3A_408 = tpu.memref_squeeze %dma_wait3A_407 : memref<1x8192xf32, #tpu.memory_space<hbm>> -> memref<8192xf32, #tpu.memory_space<hbm>>
      %dma_wait3A_409 = tpu.memref_slice %arg4[%select_n3A, %mul3A_391] : memref<4x65536xf32, #tpu.memory_space<hbm>> -> memref<1x8192xf32, #tpu.memory_space<hbm>>
      %dma_wait3A_410 = tpu.memref_squeeze %dma_wait3A_409 : memref<1x8192xf32, #tpu.memory_space<hbm>> -> memref<8192xf32, #tpu.memory_space<hbm>>
      %dma_wait3A_411 = arith.constant 0 : i32
      %dma_wait3A_412 = tpu.memref_slice %arg7[%dma_wait3A_411] : memref<16384xf32, #tpu.memory_space<vmem>> -> memref<8192xf32, #tpu.memory_space<vmem>>
      tpu.wait_dma2 semaphore(%arg9 : memref<!tpu.dma_semaphore, #tpu.memory_space<semaphore_mem>>) src(%dma_wait3A_412 : memref<8192xf32, #tpu.memory_space<vmem>>) dst(%dma_wait3A_410 : memref<8192xf32, #tpu.memory_space<hbm>>)
      %mul3A_413 = arith.constant 1024 : i32
      %mul3A_414 = arith.muli %mul3A_35, %mul3A_413 : i32
      %add3A_415 = arith.constant 8192 : i32
      %add3A_416 = arith.addi %mul3A_414, %add3A_415 : i32
      "tpu.region"() ({
        %run_scoped3A = tpu.sem_alloc : memref<!tpu.dma_semaphore, #tpu.memory_space<semaphore_mem>>
        %dma_start3A_417 = arith.constant 8192 : i32
        %dma_start3A_418 = tpu.memref_slice %arg7[%dma_start3A_417] : memref<16384xf32, #tpu.memory_space<vmem>> -> memref<8192xf32, #tpu.memory_space<vmem>>
        %dma_start3A_419 = tpu.memref_slice %arg4[%select_n3A, %add3A_416] : memref<4x65536xf32, #tpu.memory_space<hbm>> -> memref<1x8192xf32, #tpu.memory_space<hbm>>
        %dma_start3A_420 = tpu.memref_squeeze %dma_start3A_419 : memref<1x8192xf32, #tpu.memory_space<hbm>> -> memref<8192xf32, #tpu.memory_space<hbm>>
        %dma_start3A_421 = tpu.memref_slice %arg4[%select_n3A, %add3A_416] : memref<4x65536xf32, #tpu.memory_space<hbm>> -> memref<1x8192xf32, #tpu.memory_space<hbm>>
        %dma_start3A_422 = tpu.memref_squeeze %dma_start3A_421 : memref<1x8192xf32, #tpu.memory_space<hbm>> -> memref<8192xf32, #tpu.memory_space<hbm>>
        %dma_start3A_423 = arith.constant 8192 : i32
        %dma_start3A_424 = tpu.memref_slice %arg7[%dma_start3A_423] : memref<16384xf32, #tpu.memory_space<vmem>> -> memref<8192xf32, #tpu.memory_space<vmem>>
        tpu.enqueue_dma source(%dma_start3A_424 : memref<8192xf32, #tpu.memory_space<vmem>>) target(%dma_start3A_422 : memref<8192xf32, #tpu.memory_space<hbm>>) target_semaphore(%run_scoped3A : memref<!tpu.dma_semaphore, #tpu.memory_space<semaphore_mem>>)
        %dma_wait3A_425 = arith.constant 8192 : i32
        %dma_wait3A_426 = tpu.memref_slice %arg7[%dma_wait3A_425] : memref<16384xf32, #tpu.memory_space<vmem>> -> memref<8192xf32, #tpu.memory_space<vmem>>
        %dma_wait3A_427 = tpu.memref_slice %arg4[%select_n3A, %add3A_416] : memref<4x65536xf32, #tpu.memory_space<hbm>> -> memref<1x8192xf32, #tpu.memory_space<hbm>>
        %dma_wait3A_428 = tpu.memref_squeeze %dma_wait3A_427 : memref<1x8192xf32, #tpu.memory_space<hbm>> -> memref<8192xf32, #tpu.memory_space<hbm>>
        %dma_wait3A_429 = tpu.memref_slice %arg4[%select_n3A, %add3A_416] : memref<4x65536xf32, #tpu.memory_space<hbm>> -> memref<1x8192xf32, #tpu.memory_space<hbm>>
        %dma_wait3A_430 = tpu.memref_squeeze %dma_wait3A_429 : memref<1x8192xf32, #tpu.memory_space<hbm>> -> memref<8192xf32, #tpu.memory_space<hbm>>
        %dma_wait3A_431 = arith.constant 8192 : i32
        %dma_wait3A_432 = tpu.memref_slice %arg7[%dma_wait3A_431] : memref<16384xf32, #tpu.memory_space<vmem>> -> memref<8192xf32, #tpu.memory_space<vmem>>
        tpu.wait_dma2 semaphore(%run_scoped3A : memref<!tpu.dma_semaphore, #tpu.memory_space<semaphore_mem>>) src(%dma_wait3A_432 : memref<8192xf32, #tpu.memory_space<vmem>>) dst(%dma_wait3A_430 : memref<8192xf32, #tpu.memory_space<hbm>>)
        tpu.yield
      }) : () -> ()
    } else {
    }
    return
  }
}

</mosaic_0001>

<sc_bundles>
// kernel: kernel.3.cloned.1.call-start
scs
__scs_entry_jumppad:
0x0: {  	(pc) =	sbr.rel $0x88, $3  }
0x1: {  	(tag) =	ssettag $0x0;
	lr =	simm.s32 $0x1  }
0x2: {  	[smem:$0x3F9F] =	sst lr;
	_ =	strace $0xD0000000  }
0x3: {  	_ = 	snop  }
0x4: {  	_ = 	snop  }
0x5: {  	_ = 	snop  }
0x6: {  	_ = 	snop  }
0x7: {  	_ = 	snop  }
__scs_overlays_trampoline_lowered:
0x8: {  	[smem:$0x3FAE] =	sst s0  }
0x9: {  	[smem:$0x3FAF] =	sst s1  }
0xa: {  	[smem:$0x3FB0] =	sst s2  }
0xb: {  	[smem:$0x3FB1] =	sst s3  }
0xc: {  	[smem:$0x3FB2] =	sst s4  }
0xd: {  	[smem:$0x3FB3] =	sst s5  }
0xe: {  	[smem:$0x3FB4] =	sst s6  }
0xf: {  	[smem:$0x3FB5] =	sst s7  }
0x10: {  	[smem:$0x3FB6] =	sst s8  }
0x11: {  	[smem:$0x3FB7] =	sst s9;
	s0 =	simm.s32 @!p0 $0x0  }
0x12: {  	s1 =	sld [smem:$0x3F9D];
	s0 =	simm.s32 @p0 $0x1  }
0x13: {  	[smem:$0x3FB8] =	sst s0;
	s0 =	simm.s32 @!p1 $0x0  }
0x14: {  	s2 =	sld [smem:$0x3F9C];
	s0 =	simm.s32 @p1 $0x1  }
0x15: {  	[smem:$0x3FB9] =	sst s0;
	s0 =	simm.s32 @!p2 $0x0  }
0x16: {  	s3 =	sld [smem:$0x3FDB];
	s0 =	simm.s32 @p2 $0x1  }
0x17: {  	s4 =	simm.s32 $0x1BF5;
	[smem:$0x3FBB] =	sst s0  }
0x18: {  	s0 =	sld [smem:$0x3F9E];
	_ =	swait.ge [sflag:s4], $0x0  }
0x19: {  	s7 =	sld [smem:$0x3F9F]  }
0x1a: {  	s8 =	sadd.s32 $0xFFFFE003, lr  }
0x1b: {  	s9 =	sadd.s32 $0xFFFFFEF7, lr;
	s5 =	simm.s32 $0xFFFFFFFF;
	p2 =	slt.u32 s8, $0xFFFFF086  }
0x1c: {  	p1 =	slt.u32 s9, $0xF7A;
	s5 =	simm.s32 @!p2 $0x0  }
0x1d: {  	s5 =	simm.s32 @p1 $0x1;
	p0 =	seq.s32 s7, s2  }
0x1e: {  	s7 =	smul.u32 @!p0 $0xF7A, s2;
	p2 =	seq.s32 @!p0 s5, $0x0  }
0x1f: {  	s9 =	smul.u32 $0xF7A, s1;
	s8 =	simm.s32 @!p0 $0x1BF5;
	p2 =	por !p2, p0  }
0x20: {  	[sflag:s8] =	ssyncset.s32 @!p0 $0xFFFFF086;
	s6 =	sadd.s32 @!p0 s3, s7;
	s7 =	simm.s32 @!p0 $0x108  }
0x21: {  	s3 =	sadd.s32 s3, s9;
	s6 =	sadd.s32 @!p0 $0x88, s6;
	s7 =	simm.s32 @p2 $0x1082  }
0x22: {  	[simem:s7], [sflag:s8] =	dma.local @!p0 [hbm:s6], $0xF7A  }
0x23: {  	s9 =	sor.u32 $0xD0000000, s2;
	s6 =	simm.s32 $0x108;
	_ =	swait.ge @!p0 [sflag:s8], $0x0  }
0x24: {  	s3 =	sadd.s32 $0x88, s3;
	s6 =	simm.s32 @!p1 $0x1082;
	[sflag:s4] =	ssyncset.s32 $0xFFFFF086  }
0x25: {  	[simem:s6], [sflag:s4] =	dma.local [hbm:s3], $0xF7A  }
0x26: {  	[smem:$0x3F9F] =	sst s1;
	(tag) =	ssettag s2;
	_ =	strace s9  }
0x27: {  	s1 =	sld [smem:$0x3FAF]  }
0x28: {  	s2 =	sld [smem:$0x3FB0]  }
0x29: {  	s4 =	sld [smem:$0x3FB2]  }
0x2a: {  	p0 =	seq.s32 s5, $0x0;
	s5 =	sld [smem:$0x3FB3]  }
0x2b: {  	s6 =	sld [smem:$0x3FB4]  }
0x2c: {  	s7 =	sld [smem:$0x3FB5]  }
0x2d: {  	s3 =	simm.s32 $0x108;
	s8 =	sld [smem:$0x3FB6]  }
0x2e: {  	s3 =	simm.s32 @!p0 $0x1082;
	s9 =	sld [smem:$0x3FB7]  }
0x2f: {  	lr =	sadd.s32 s0, s3;
	s0 =	sld [smem:$0x3FAE]  }
0x30: {  	s3 =	sld [smem:$0x3FB1]  }
0x31: {  	[smem:$0x3FBA] =	sst s10  }
0x32: {  	s10 =	sld [smem:$0x3FB8];
	_ =	sdelay $0x3  }
0x33: {  	p0 =	seq.s32 s10, $0x1;
	s10 =	sld [smem:$0x3FBA];
	_ =	sdelay $0x3  }
0x34: {  	[smem:$0x3FBA] =	sst s10  }
0x35: {  	s10 =	sld [smem:$0x3FB9];
	_ =	sdelay $0x3  }
0x36: {  	p1 =	seq.s32 s10, $0x1;
	s10 =	sld [smem:$0x3FBA];
	_ =	sdelay $0x3  }
0x37: {  	[smem:$0x3FBA] =	sst s10  }
0x38: {  	s10 =	sld [smem:$0x3FBB]  }
0x39: {  	_ = 	snop;
	(pc) =	sbr.ind lr, $3  }
0x3a: {  	_ = 	snop  }
0x3b: {  	_ = 	snop  }
0x3c: {  	p2 =	seq.s32 s10, $0x1;
	s10 =	sld [smem:$0x3FBA]  }
0x3d: {  	_ =	shalt  }
0x3e: {  	_ =	shalt  }
0x3f: {  	_ =	shalt  }
0x40: {  	_ =	shalt  }
0x41: {  	_ =	shalt  }
0x42: {  	_ =	shalt  }
0x43: {  	_ =	shalt  }
0x44: {  	_ =	shalt  }
0x45: {  	_ =	shalt  }
0x46: {  	_ =	shalt  }
0x47: {  	_ =	shalt  }
0x48: {  	_ =	shalt  }
0x49: {  	_ =	shalt  }
0x4a: {  	_ =	shalt  }
0x4b: {  	_ =	shalt  }
0x4c: {  	_ =	shalt  }
0x4d: {  	_ =	shalt  }
0x4e: {  	_ =	shalt  }
0x4f: {  	_ =	shalt  }
0x50: {  	_ =	shalt  }
0x51: {  	_ =	shalt  }
0x52: {  	_ =	shalt  }
0x53: {  	_ =	shalt  }
0x54: {  	_ =	shalt  }
0x55: {  	_ =	shalt  }
0x56: {  	_ =	shalt  }
0x57: {  	_ =	shalt  }
0x58: {  	_ =	shalt  }
0x59: {  	_ =	shalt  }
0x5a: {  	_ =	shalt  }
0x5b: {  	_ =	shalt  }
0x5c: {  	_ =	shalt  }
0x5d: {  	_ =	shalt  }
0x5e: {  	_ =	shalt  }
0x5f: {  	_ =	shalt  }
0x60: {  	_ =	shalt  }
0x61: {  	_ =	shalt  }
0x62: {  	_ =	shalt  }
0x63: {  	_ =	shalt  }
0x64: {  	_ =	shalt  }
0x65: {  	_ =	shalt  }
0x66: {  	_ =	shalt  }
0x67: {  	_ =	shalt  }
0x68: {  	_ =	shalt  }
0x69: {  	_ =	shalt  }
0x6a: {  	_ =	shalt  }
0x6b: {  	_ =	shalt  }
0x6c: {  	_ =	shalt  }
0x6d: {  	_ =	shalt  }
0x6e: {  	_ =	shalt  }
0x6f: {  	_ =	shalt  }
0x70: {  	_ =	shalt  }
0x71: {  	_ =	shalt  }
0x72: {  	_ =	shalt  }
0x73: {  	_ =	shalt  }
0x74: {  	_ =	shalt  }
0x75: {  	_ =	shalt  }
0x76: {  	_ =	shalt  }
0x77: {  	_ =	shalt  }
0x78: {  	_ =	shalt  }
0x79: {  	_ =	shalt  }
0x7a: {  	_ =	shalt  }
0x7b: {  	_ =	shalt  }
0x7c: {  	_ =	shalt  }
0x7d: {  	_ =	shalt  }
0x7e: {  	_ =	shalt  }
0x7f: {  	_ =	shalt  }
0x80: {  	_ =	shalt  }
0x81: {  	_ =	shalt  }
0x82: {  	_ =	shalt  }
0x83: {  	_ =	shalt  }
0x84: {  	_ =	shalt  }
0x85: {  	_ =	shalt  }
0x86: {  	_ =	shalt  }
0x87: {  	_ =	shalt  }
.Lfunc_end0:
.L_simem_size_0:
called_computation_lowered:
.L_overlay_start_0:
0x88: {  	s2 =	sld [smem:$0x3FD9]  }
0x89: {  	s3 =	sld [smem:$0x3FFE];
	_ =	sdelay $0x1  }
0x8a: {  	s1 =	srdreg.scid  }
0x8b: {  	s0 =	sand.u32 $0x1, s1  }
0x8c: {  	s18 =	sshll.u32 s0, $0xA;
	s2 =	sadd.s32 s3, s2  }
0x8d: {  	s2 =	sadd.s32 s2, s18  }
0x8e: {  	[smem:$0x3FC6] =	sst s2  }
0x8f: {  	_ = 	snop  }
0x90: {  	s2 =	sld [smem:$0x3FC9]  }
0x91: {  	s19 =	sld [smem:$0x3FC8]  }
0x92: {  	s4 =	sld [smem:$0x3FD0];
	(tm) =	ssettm $0x1  }
0x93: {  	s5 =	sld [smem:$0x3FFB];
	_ =	sdelay $0x3  }
0x94: {  	_ =	strace s5  }
0x95: {  	s5 =	sld [smem:$0x3FFC];
	_ =	sdelay $0x3  }
0x96: {  	_ =	strace s5  }
0x97: {  	s5 =	sld [smem:$0x3FFD];
	_ =	sdelay $0x3  }
0x98: {  	_ =	strace s5  }
0x99: {  	_ =	strace $0x8FFFFFFF  }
0x9a: {  	s20 =	sld [smem:$0x3FDB];
	_ =	sdelay $0x1  }
0x9b: {  	s6 =	simm.s32 $_scs_section_size  }
0x9c: {  	s7 =	simm.s32 $_size__tile_overlayer_lowered;
	s8 =	simm.s32 $_tile_overlayer_lowered  }
0x9d: {  	s23 =	simm.s32 $0x1BFF;
	s22 =	sshll.u32 s8, $0x1;
	s5 =	sadd.s32 s6, s20  }
0x9e: {  	s9 =	simm.s32 $0x0;
	s21 =	sshll.u32 s7, $0x1;
	s7 =	sadd.s32 s22, s5  }
0x9f: {  	[timem:s9], [sflag:s23] =	dma.local [hbm:s7], s21  }
0xa0: {  	_ =	swait.ge [sflag:s23], s21  }
0xa1: {  	s6 =	ssub.s32 $0x0, s21;
	[sflag:s23] =	ssyncset.done $0x0  }
0xa2: {  	[sflag:s23] =	ssyncadd.s32 s6;
	_ =	sdelay $0x1  }
0xa3: {  	s24 =	simm.s32 $0x1B8B  }
0xa4: {  	_ =	swait.ge [sflag:s24], $0x1  }
0xa5: {  	[sflag:s24] =	ssyncset.done $0x0  }
0xa6: {  	s25 =	simm.s32 $0x1B8E;
	[sflag:s24] =	ssyncadd.s32 $0xFFFFFFFF  }
0xa7: {  	s26 =	simm.s32 $execute0_lowered;
	[smem:$0x3FD2] =	sst s25  }
0xa8: {  	s6 =	sshll.u32 s26, $0x1;
	_ =	strace $0x80000046;
	[dreg:$0x1] =	wrdreg $0xFFFFFFFF  }
0xa9: {  	s28 =	simm.s32 $_size_execute0_lowered;
	s5 =	sadd.s32 s5, s6;
	[dreg:$0x0] =	wrdreg $0x0  }
0xaa: {  	s6 =	sshll.u32 s28, $0x1;
	[dreg:$0x2] =	wrdreg s5  }
0xab: {  	[dreg:$0x3] =	wrdreg s6  }
0xac: {  	[dreg:$0x4] =	wrdreg $0xC0  }
0xad: {  	_ =	task [dreg:s9], $0x5FFFF  }
0xae: {  	[dreg:$0x1] =	wrdreg $0xFFFFFFFF  }
0xaf: {  	[dreg:$0x0] =	wrdreg $0x60  }
0xb0: {  	[dreg:$0x2] =	wrdreg s2  }
0xb1: {  	[dreg:$0x3] =	wrdreg s19  }
0xb2: {  	[dreg:$0x4] =	wrdreg s4  }
0xb3: {  	[dreg:$0x5] =	wrdreg $0x9  }
0xb4: {  	_ =	task.clear_ibuf [dreg:s9], $0x6FFFF;
	_ =	strace $0x90000046  }
0xb5: {  	s29 =	simm.s32 $0x9;
	_ =	strace $0x80000048  }
0xb6: {  	_ =	swait.ge [sflag:s29], $0x1  }
0xb7: {  	[sflag:s29] =	ssyncadd.s32 $0xFFFFFFFF  }
0xb8: {  	_ =	strace $0x90000048  }
0xb9: {  	_ =	sfence  }
0xba: {  	s30 =	sld [smem:$0x0];
	_ =	sdelay $0x2  }
0xbb: {  	s31 =	sshll.u32 s1, $0xD;
	s1 =	sshrl.u32 s1, $0x2  }
0xbc: {  	s3 =	sand.u32 $0x4000, s31;
	s1 =	sadd.s32 s1, s30  }
0xbd: {  	s0 =	sor.u32 s3, s0;
	s1 =	sshll.u32 s1, $0x11  }
0xbe: {  	s0 =	sor.u32 s1, s0  }
0xbf: {  	s0 =	sadd.s32 $0x8F2B, s0  }
0xc0: {  	[sflag:s0] =	ssyncadd.remote.s32 $0x1  }
0xc1: {  	_ =	sfence.sel $0xFFFF  }
0xc2: {  	[dreg:$0x0] =	wrdreg $0xFFFFFFFF;
	(pc) =	sbr.abs _section_cstart, $3  }
0xc3: {  	[dreg:$0x1] =	wrdreg $0xFFFFFFFF  }
0xc4: {  	_ =	task.clear_ibuf [dreg:s9], $0x2FFFF;
	_ =	strace $0x9FFFFFFF  }
0xc5: {  	(tm) =	ssettm $0x7FFFFFFF  }
tec
execute0_lowered:
.L_overlay_start_1:
0x0: {  	(tag) =	ssettag $0x1  }
0x1: {  	s2 =	stileid.u32  }
0x2: {  	p0 =	sgt.u32 s2, $0x7  }
.Ltmp0:
0x3: {  	_ = 	snop;
	(pc) =	sbr.rel @p0 .LBB2_7-.Ltmp0, $4  }
0x4: {  	_ = 	snop  }
0x5: {  	s0 =	rddreg [dreg:$0x0];
	s3 =	simm.s32 $0x0  }
0x6: {  	[smem:$0x7FF] =	sst s3  }
0x7: {  	s1 =	rddreg [dreg:$0x2];
	_ =	strace $0x80000047  }
0x8: {  	s2 =	srdreg.scid;
	s5 =	stileid.u32  }
0x9: {  	s23 =	simm.s32 $0x800;
	s30 =	simm.s32 $0x1;
	s24 =	simm.s32 $0x0  }
0xa: {  	s4 =	sshll.u32 s5, $0x1;
	s2 =	sand.u32 $0x1, s2;
	s5 =	sshrl.u32 s5, $0x1  }
0xb: {  	s4 =	sand.u32 $0x2, s4;
	s7 =	sshll.u32 s5, $0xD;
	s26 =	ssub.s32 $0x2, s2  }
0xc: {  	s5 =	sshll.u32 s5, $0x4;
	s4 =	sor.u32 s2, s4;
	s29 =	sshrl.u32 s26, $0x1  }
0xd: {  	s2 =	simm.s32 $0x3;
	s6 =	sshll.u32 s4, $0xB;
	s25 =	sshll.u32 s4, $0xA  }
0xe: {  	s31 =	ssub.s32 s26, s29;
	s6 =	sor.u32 s7, s6;
	s28 =	sor.u32 s5, s25  }
0xf: {  	s22 =	smax.u32 s31, $0x1;
	s4 =	sadd.s32 s1, s6;
	s6 =	sadd.s32 s0, s28  }
0x10: {  	s0 =	simm.s32 $0x2;
	s1 =	simm.s32 $0x12800;
	s5 =	sadd.s32 $0x400, s4  }
0x11: {  	s7 =	sadd.s32 $0x3C0, s6;
	s8 =	sadd.s32 $0x380, s6;
	s9 =	sadd.s32 $0x340, s6  }
0x12: {  	s10 =	sadd.s32 $0x300, s6;
	s11 =	sadd.s32 $0x2C0, s6;
	s12 =	sadd.s32 $0x280, s6  }
0x13: {  	s13 =	sadd.s32 $0x240, s6;
	s14 =	sadd.s32 $0x200, s6;
	s15 =	sadd.s32 $0x1C0, s6  }
0x14: {  	s16 =	sadd.s32 $0x180, s6;
	s17 =	sadd.s32 $0x140, s6;
	s18 =	sadd.s32 $0x100, s6  }
0x15: {  	s19 =	sadd.s32 $0xC0, s6;
	s20 =	sadd.s32 $0x80, s6;
	s21 =	sadd.s32 $0x40, s6  }
.LBB2_2:
0x16: {  	s25 =	simm.s32 $0x0;
	s26 =	rddreg [dreg:$0x1]  }
0x17: {  	[tilespmem:s23], [sflag:$0x1] =	stream.linear.gather [hbm4b:s26+s25], $0x10000, $0x38;
	[tilespmem:$0x14800] =	vst v63  }
0x18: {  	_ = 	snop  }
0x19: {  	[tilespmem:s25], [sflag:$0x1] =	stream.linear.gather [hbm4b:s6+s25], $0x80, $0x38;
	[tilespmem:$0x14800] =	vst v63  }
0x1a: {  	s31 =	simm.s32 $0x80  }
0x1b: {  	[tilespmem:s31], [sflag:$0x1] =	stream.linear.gather [hbm4b:s21+s25], $0x80, $0x38;
	[tilespmem:$0x14800] =	vst v63  }
0x1c: {  	s31 =	simm.s32 $0x100  }
0x1d: {  	[tilespmem:s31], [sflag:$0x1] =	stream.linear.gather [hbm4b:s20+s25], $0x80, $0x38;
	[tilespmem:$0x14800] =	vst v63  }
0x1e: {  	s31 =	simm.s32 $0x180  }
0x1f: {  	[tilespmem:s31], [sflag:$0x1] =	stream.linear.gather [hbm4b:s19+s25], $0x80, $0x38;
	[tilespmem:$0x14800] =	vst v63  }
0x20: {  	s31 =	simm.s32 $0x200  }
0x21: {  	[tilespmem:s31], [sflag:$0x1] =	stream.linear.gather [hbm4b:s18+s25], $0x80, $0x38;
	[tilespmem:$0x14800] =	vst v63  }
0x22: {  	s31 =	simm.s32 $0x280  }
0x23: {  	[tilespmem:s31], [sflag:$0x1] =	stream.linear.gather [hbm4b:s17+s25], $0x80, $0x38;
	[tilespmem:$0x14800] =	vst v63  }
0x24: {  	s31 =	simm.s32 $0x300  }
0x25: {  	[tilespmem:s31], [sflag:$0x1] =	stream.linear.gather [hbm4b:s16+s25], $0x80, $0x38;
	[tilespmem:$0x14800] =	vst v63  }
0x26: {  	s31 =	simm.s32 $0x380  }
0x27: {  	[tilespmem:s31], [sflag:$0x1] =	stream.linear.gather [hbm4b:s15+s25], $0x80, $0x38;
	[tilespmem:$0x14800] =	vst v63  }
0x28: {  	s31 =	simm.s32 $0x400  }
0x29: {  	[tilespmem:s31], [sflag:$0x1] =	stream.linear.gather [hbm4b:s14+s25], $0x80, $0x38;
	[tilespmem:$0x14800] =	vst v63  }
0x2a: {  	s31 =	simm.s32 $0x480  }
0x2b: {  	[tilespmem:s31], [sflag:$0x1] =	stream.linear.gather [hbm4b:s13+s25], $0x80, $0x38;
	[tilespmem:$0x14800] =	vst v63  }
0x2c: {  	s31 =	simm.s32 $0x500  }
0x2d: {  	[tilespmem:s31], [sflag:$0x1] =	stream.linear.gather [hbm4b:s12+s25], $0x80, $0x38;
	[tilespmem:$0x14800] =	vst v63  }
0x2e: {  	s31 =	simm.s32 $0x580  }
0x2f: {  	[tilespmem:s31], [sflag:$0x1] =	stream.linear.gather [hbm4b:s11+s25], $0x80, $0x38;
	[tilespmem:$0x14800] =	vst v63  }
0x30: {  	s31 =	simm.s32 $0x600  }
0x31: {  	[tilespmem:s31], [sflag:$0x1] =	stream.linear.gather [hbm4b:s10+s25], $0x80, $0x38;
	[tilespmem:$0x14800] =	vst v63  }
0x32: {  	s31 =	simm.s32 $0x680  }
0x33: {  	[tilespmem:s31], [sflag:$0x1] =	stream.linear.gather [hbm4b:s9+s25], $0x80, $0x38;
	[tilespmem:$0x14800] =	vst v63  }
0x34: {  	s31 =	simm.s32 $0x700  }
0x35: {  	[tilespmem:s31], [sflag:$0x1] =	stream.linear.gather [hbm4b:s8+s25], $0x80, $0x38;
	[tilespmem:$0x14800] =	vst v63  }
0x36: {  	s31 =	simm.s32 $0x780  }
0x37: {  	[tilespmem:s31], [sflag:$0x1] =	stream.linear.gather [hbm4b:s7+s25], $0x80, $0x38;
	[tilespmem:$0x14800] =	vst v63  }
0x38: {  	_ =	swait.ge [sflag:s30], $0x10000  }
0x39: {  	[sflag:s30] =	ssyncset.done $0x0  }
0x3a: {  	[sflag:s30] =	ssyncadd.s32 $0xFFFF0000  }
0x3b: {  	_ =	swait.ge [sflag:s30], $0x80  }
0x3c: {  	[sflag:s30] =	ssyncset.done $0x0  }
0x3d: {  	[sflag:s30] =	ssyncadd.s32 $0xFFFFFF80  }
0x3e: {  	_ =	swait.ge [sflag:s30], $0x80  }
0x3f: {  	[sflag:s30] =	ssyncset.done $0x0  }
0x40: {  	[sflag:s30] =	ssyncadd.s32 $0xFFFFFF80  }
0x41: {  	_ =	swait.ge [sflag:s30], $0x80  }
0x42: {  	[sflag:s30] =	ssyncset.done $0x0  }
0x43: {  	[sflag:s30] =	ssyncadd.s32 $0xFFFFFF80  }
0x44: {  	_ =	swait.ge [sflag:s30], $0x80  }
0x45: {  	[sflag:s30] =	ssyncset.done $0x0  }
0x46: {  	[sflag:s30] =	ssyncadd.s32 $0xFFFFFF80  }
0x47: {  	_ =	swait.ge [sflag:s30], $0x80  }
0x48: {  	[sflag:s30] =	ssyncset.done $0x0  }
0x49: {  	[sflag:s30] =	ssyncadd.s32 $0xFFFFFF80  }
0x4a: {  	_ =	swait.ge [sflag:s30], $0x80  }
0x4b: {  	[sflag:s30] =	ssyncset.done $0x0  }
0x4c: {  	[sflag:s30] =	ssyncadd.s32 $0xFFFFFF80  }
0x4d: {  	_ =	swait.ge [sflag:s30], $0x80  }
0x4e: {  	[sflag:s30] =	ssyncset.done $0x0  }
0x4f: {  	[sflag:s30] =	ssyncadd.s32 $0xFFFFFF80  }
0x50: {  	_ =	swait.ge [sflag:s30], $0x80  }
0x51: {  	[sflag:s30] =	ssyncset.done $0x0  }
0x52: {  	[sflag:s30] =	ssyncadd.s32 $0xFFFFFF80  }
0x53: {  	_ =	swait.ge [sflag:s30], $0x80  }
0x54: {  	[sflag:s30] =	ssyncset.done $0x0  }
0x55: {  	[sflag:s30] =	ssyncadd.s32 $0xFFFFFF80  }
0x56: {  	_ =	swait.ge [sflag:s30], $0x80  }
0x57: {  	[sflag:s30] =	ssyncset.done $0x0  }
0x58: {  	[sflag:s30] =	ssyncadd.s32 $0xFFFFFF80  }
0x59: {  	_ =	swait.ge [sflag:s30], $0x80  }
0x5a: {  	[sflag:s30] =	ssyncset.done $0x0  }
0x5b: {  	[sflag:s30] =	ssyncadd.s32 $0xFFFFFF80  }
0x5c: {  	_ =	swait.ge [sflag:s30], $0x80  }
0x5d: {  	[sflag:s30] =	ssyncset.done $0x0  }
0x5e: {  	[sflag:s30] =	ssyncadd.s32 $0xFFFFFF80  }
0x5f: {  	_ =	swait.ge [sflag:s30], $0x80  }
0x60: {  	[sflag:s30] =	ssyncset.done $0x0  }
0x61: {  	[sflag:s30] =	ssyncadd.s32 $0xFFFFFF80  }
0x62: {  	_ =	swait.ge [sflag:s30], $0x80  }
0x63: {  	[sflag:s30] =	ssyncset.done $0x0  }
0x64: {  	[sflag:s30] =	ssyncadd.s32 $0xFFFFFF80  }
0x65: {  	_ =	swait.ge [sflag:s30], $0x80  }
0x66: {  	[sflag:s30] =	ssyncset.done $0x0  }
0x67: {  	[sflag:s30] =	ssyncadd.s32 $0xFFFFFF80  }
0x68: {  	_ =	swait.ge [sflag:s30], $0x80  }
0x69: {  	[sflag:s30] =	ssyncset.done $0x0  }
0x6a: {  	[sflag:s30] =	ssyncadd.s32 $0xFFFFFF80  }
0x6b: {  	v0 =	vld [tilespmem:s25+$0x0];
	_ =	sdelay $0x4  }
0x6c: {  	v1 =	vshrl.u32 v0, $0x7  }
0x6d: {  	v1 =	vmul.u32 $0x380, v1;
	_ =	sdelay $0x1  }
0x6e: {  	v1 =	vadd.s32 v0, v1;
	_ =	sdelay $0x3  }
0x6f: {  	v0 =	vand.u32 $0x7, v0;
	v2 =	vand.u32 $0xFFFFFFF8, v1  }
0x70: {  	v0 =	vor.u32 v0, v2;
	v1 =	vld.idx.msk [tilespmem:v1+s23+$0x0], $0xffff  }
0x71: {  	v2 =	vadd.s32 $0x80, v0;
	_ =	sdelay $0x1  }
0x72: {  	s28 =	sand.u32 $0x70, s25;
	s31 =	sand.u32 $0x1C00, s25  }
0x73: {  	s26 =	sor.u32 s28, s31  }
0x74: {  	[tilespmem:s26+$0x10800] =	vst v1  }
0x75: {  	v1 =	vld.idx.msk [tilespmem:v2+s23+$0x0], $0xffff  }
0x76: {  	v2 =	vadd.s32 $0x100, v0;
	_ =	sdelay $0x2  }
0x77: {  	s29 =	sadd.s32 $0x10800, s26  }
0x78: {  	[tilespmem:s29+$0x80] =	vst v1  }
0x79: {  	v1 =	vld.idx.msk [tilespmem:v2+s23+$0x0], $0xffff  }
0x7a: {  	v2 =	vadd.s32 $0x180, v0;
	_ =	sdelay $0x3  }
0x7b: {  	[tilespmem:s29+$0x100] =	vst v1  }
0x7c: {  	v1 =	vld.idx.msk [tilespmem:v2+s23+$0x0], $0xffff  }
0x7d: {  	v2 =	vadd.s32 $0x200, v0;
	_ =	sdelay $0x3  }
0x7e: {  	[tilespmem:s29+$0x180] =	vst v1  }
0x7f: {  	v1 =	vld.idx.msk [tilespmem:v2+s23+$0x0], $0xffff  }
0x80: {  	v2 =	vadd.s32 $0x280, v0;
	_ =	sdelay $0x3  }
0x81: {  	[tilespmem:s29+$0x200] =	vst v1  }
0x82: {  	v1 =	vld.idx.msk [tilespmem:v2+s23+$0x0], $0xffff  }
0x83: {  	v2 =	vadd.s32 $0x300, v0;
	_ =	sdelay $0x3  }
0x84: {  	[tilespmem:s29+$0x280] =	vst v1  }
0x85: {  	v1 =	vld.idx.msk [tilespmem:v2+s23+$0x0], $0xffff  }
0x86: {  	v0 =	vadd.s32 $0x380, v0;
	_ =	sdelay $0x3  }
0x87: {  	[tilespmem:s29+$0x300] =	vst v1  }
0x88: {  	s28 =	simm.s32 $0x0;
	s26 =	simm.s32 $0x80;
	v0 =	vld.idx.msk [tilespmem:v0+s23+$0x0], $0xffff  }
.LBB2_3:
0x89: {  	_ =	sdelay $0x3  }
0x8a: {  	p0 =	sne.s32 s26, $0x1F80;
	s25 =	sadd.s32 $0x10, s25;
	s28 =	sadd.s32 $0x10, s28;
	[tilespmem:s29+$0x380] =	vst v0  }
0x8b: {  	s29 =	smov.u32 s26;
	s26 =	sadd.s32 $0x80, s26;
	v0 =	vld [tilespmem:s28+$0x0];
	_ =	sdelay $0x4  }
0x8c: {  	v1 =	vshrl.u32 v0, $0x7  }
0x8d: {  	v1 =	vmul.u32 $0x380, v1;
	_ =	sdelay $0x1  }
0x8e: {  	v1 =	vadd.s32 v0, v1  }
0x8f: {  	v0 =	vand.u32 $0x7, v0;
	v2 =	vand.u32 $0xFFFFFFF8, v1  }
0x90: {  	v0 =	vor.u32 v0, v2;
	_ =	sdelay $0x2  }
0x91: {  	v1 =	vld.idx.msk [tilespmem:v1+s23+$0x0], $0xffff;
	_ =	sdelay $0x1  }
0x92: {  	v2 =	vadd.s32 $0x80, v0;
	_ =	sdelay $0x1  }
0x93: {  	s31 =	sand.u32 $0x70, s25;
	s29 =	sand.u32 $0x1C00, s29  }
0x94: {  	s29 =	sor.u32 s31, s29  }
0x95: {  	[tilespmem:s29+$0x10800] =	vst v1  }
0x96: {  	v1 =	vld.idx.msk [tilespmem:v2+s23+$0x0], $0xffff;
	_ =	sdelay $0x1  }
0x97: {  	v2 =	vadd.s32 $0x100, v0;
	_ =	sdelay $0x2  }
0x98: {  	s29 =	sadd.s32 $0x10800, s29  }
0x99: {  	[tilespmem:s29+$0x80] =	vst v1  }
0x9a: {  	v1 =	vld.idx.msk [tilespmem:v2+s23+$0x0], $0xffff;
	_ =	sdelay $0x1  }
0x9b: {  	v2 =	vadd.s32 $0x180, v0;
	_ =	sdelay $0x3  }
0x9c: {  	[tilespmem:s29+$0x100] =	vst v1  }
0x9d: {  	v1 =	vld.idx.msk [tilespmem:v2+s23+$0x0], $0xffff;
	_ =	sdelay $0x1  }
0x9e: {  	v2 =	vadd.s32 $0x200, v0;
	_ =	sdelay $0x3  }
0x9f: {  	[tilespmem:s29+$0x180] =	vst v1  }
0xa0: {  	v1 =	vld.idx.msk [tilespmem:v2+s23+$0x0], $0xffff;
	_ =	sdelay $0x1  }
0xa1: {  	v2 =	vadd.s32 $0x280, v0;
	_ =	sdelay $0x3  }
0xa2: {  	[tilespmem:s29+$0x200] =	vst v1  }
0xa3: {  	v1 =	vld.idx.msk [tilespmem:v2+s23+$0x0], $0xffff;
	_ =	sdelay $0x1  }
0xa4: {  	v2 =	vadd.s32 $0x300, v0;
	_ =	sdelay $0x3  }
0xa5: {  	[tilespmem:s29+$0x280] =	vst v1  }
0xa6: {  	v1 =	vld.idx.msk [tilespmem:v2+s23+$0x0], $0xffff;
	_ =	sdelay $0x1  }
0xa7: {  	v0 =	vadd.s32 $0x380, v0  }
.Ltmp1:
0xa8: {  	(pc) =	sbr.rel @p0 .LBB2_3-.Ltmp1, $3  }
0xa9: {  	_ =	sdelay $0x1  }
0xaa: {  	[tilespmem:s29+$0x300] =	vst v1  }
0xab: {  	v0 =	vld.idx.msk [tilespmem:v0+s23+$0x0], $0xffff  }
0xac: {  	_ =	sdelay $0x3  }
0xad: {  	s25 =	simm.s32 $0x10800;
	[tilespmem:s29+$0x380] =	vst v0  }
0xae: {  	[hbm4b:s4+s3] =	stream.linear.scatter [tilespmem:s25], [sflag:$0x2], $0x2000, $0x38;
	[tilespmem:$0x14800] =	vst v63  }
0xaf: {  	s25 =	simm.s32 $0x400  }
0xb0: {  	v0 =	vld [tilespmem:s25+$0x0];
	_ =	sdelay $0x4  }
0xb1: {  	v1 =	vshrl.u32 v0, $0x7  }
0xb2: {  	v1 =	vmul.u32 $0x380, v1;
	_ =	sdelay $0x1  }
0xb3: {  	v1 =	vadd.s32 v0, v1;
	_ =	sdelay $0x3  }
0xb4: {  	v0 =	vand.u32 $0x7, v0;
	v2 =	vand.u32 $0xFFFFFFF8, v1  }
0xb5: {  	v0 =	vor.u32 v0, v2;
	v1 =	vld.idx.msk [tilespmem:v1+s23+$0x0], $0xffff  }
0xb6: {  	v2 =	vadd.s32 $0x80, v0  }
0xb7: {  	s26 =	simm.s32 $0x2000  }
0xb8: {  	s26 =	sand.u32 $0x3C00, s26;
	s28 =	sand.u32 $0x70, s25  }
0xb9: {  	s26 =	sor.u32 s28, s26  }
0xba: {  	[tilespmem:s26+$0x10800] =	vst v1  }
0xbb: {  	v1 =	vld.idx.msk [tilespmem:v2+s23+$0x0], $0xffff  }
0xbc: {  	v2 =	vadd.s32 $0x100, v0;
	_ =	sdelay $0x2  }
0xbd: {  	s29 =	sadd.s32 $0x10800, s26  }
0xbe: {  	[tilespmem:s29+$0x80] =	vst v1  }
0xbf: {  	v1 =	vld.idx.msk [tilespmem:v2+s23+$0x0], $0xffff  }
0xc0: {  	v2 =	vadd.s32 $0x180, v0;
	_ =	sdelay $0x3  }
0xc1: {  	[tilespmem:s29+$0x100] =	vst v1  }
0xc2: {  	v1 =	vld.idx.msk [tilespmem:v2+s23+$0x0], $0xffff  }
0xc3: {  	v2 =	vadd.s32 $0x200, v0;
	_ =	sdelay $0x3  }
0xc4: {  	[tilespmem:s29+$0x180] =	vst v1  }
0xc5: {  	v1 =	vld.idx.msk [tilespmem:v2+s23+$0x0], $0xffff  }
0xc6: {  	v2 =	vadd.s32 $0x280, v0;
	_ =	sdelay $0x3  }
0xc7: {  	[tilespmem:s29+$0x200] =	vst v1  }
0xc8: {  	v1 =	vld.idx.msk [tilespmem:v2+s23+$0x0], $0xffff  }
0xc9: {  	v2 =	vadd.s32 $0x300, v0;
	_ =	sdelay $0x3  }
0xca: {  	[tilespmem:s29+$0x280] =	vst v1  }
0xcb: {  	v1 =	vld.idx.msk [tilespmem:v2+s23+$0x0], $0xffff  }
0xcc: {  	v0 =	vadd.s32 $0x380, v0;
	_ =	sdelay $0x3  }
0xcd: {  	[tilespmem:s29+$0x300] =	vst v1  }
0xce: {  	s28 =	simm.s32 $0x400;
	s26 =	simm.s32 $0x2080;
	v0 =	vld.idx.msk [tilespmem:v0+s23+$0x0], $0xffff  }
.LBB2_5:
0xcf: {  	_ =	sdelay $0x3  }
0xd0: {  	p0 =	sne.s32 s26, $0x3F80;
	s25 =	sadd.s32 $0x10, s25;
	s28 =	sadd.s32 $0x10, s28;
	[tilespmem:s29+$0x380] =	vst v0  }
0xd1: {  	s29 =	smov.u32 s26;
	s26 =	sadd.s32 $0x80, s26;
	v0 =	vld [tilespmem:s28+$0x0];
	_ =	sdelay $0x4  }
0xd2: {  	v1 =	vshrl.u32 v0, $0x7  }
0xd3: {  	v1 =	vmul.u32 $0x380, v1;
	_ =	sdelay $0x1  }
0xd4: {  	v1 =	vadd.s32 v0, v1  }
0xd5: {  	v0 =	vand.u32 $0x7, v0;
	v2 =	vand.u32 $0xFFFFFFF8, v1  }
0xd6: {  	v0 =	vor.u32 v0, v2;
	_ =	sdelay $0x2  }
0xd7: {  	v1 =	vld.idx.msk [tilespmem:v1+s23+$0x0], $0xffff;
	_ =	sdelay $0x1  }
0xd8: {  	v2 =	vadd.s32 $0x80, v0;
	_ =	sdelay $0x1  }
0xd9: {  	s31 =	sand.u32 $0x70, s25;
	s29 =	sand.u32 $0x3C00, s29  }
0xda: {  	s29 =	sor.u32 s31, s29  }
0xdb: {  	[tilespmem:s29+$0x10800] =	vst v1  }
0xdc: {  	v1 =	vld.idx.msk [tilespmem:v2+s23+$0x0], $0xffff;
	_ =	sdelay $0x1  }
0xdd: {  	v2 =	vadd.s32 $0x100, v0;
	_ =	sdelay $0x2  }
0xde: {  	s29 =	sadd.s32 $0x10800, s29  }
0xdf: {  	[tilespmem:s29+$0x80] =	vst v1  }
0xe0: {  	v1 =	vld.idx.msk [tilespmem:v2+s23+$0x0], $0xffff;
	_ =	sdelay $0x1  }
0xe1: {  	v2 =	vadd.s32 $0x180, v0;
	_ =	sdelay $0x3  }
0xe2: {  	[tilespmem:s29+$0x100] =	vst v1  }
0xe3: {  	v1 =	vld.idx.msk [tilespmem:v2+s23+$0x0], $0xffff;
	_ =	sdelay $0x1  }
0xe4: {  	v2 =	vadd.s32 $0x200, v0;
	_ =	sdelay $0x3  }
0xe5: {  	[tilespmem:s29+$0x180] =	vst v1  }
0xe6: {  	v1 =	vld.idx.msk [tilespmem:v2+s23+$0x0], $0xffff;
	_ =	sdelay $0x1  }
0xe7: {  	v2 =	vadd.s32 $0x280, v0;
	_ =	sdelay $0x3  }
0xe8: {  	[tilespmem:s29+$0x200] =	vst v1  }
0xe9: {  	v1 =	vld.idx.msk [tilespmem:v2+s23+$0x0], $0xffff;
	_ =	sdelay $0x1  }
0xea: {  	v2 =	vadd.s32 $0x300, v0;
	_ =	sdelay $0x3  }
0xeb: {  	[tilespmem:s29+$0x280] =	vst v1  }
0xec: {  	v1 =	vld.idx.msk [tilespmem:v2+s23+$0x0], $0xffff;
	_ =	sdelay $0x1  }
0xed: {  	v0 =	vadd.s32 $0x380, v0  }
.Ltmp2:
0xee: {  	(pc) =	sbr.rel @p0 .LBB2_5-.Ltmp2, $3  }
0xef: {  	_ =	sdelay $0x1  }
0xf0: {  	[tilespmem:s29+$0x300] =	vst v1  }
0xf1: {  	v0 =	vld.idx.msk [tilespmem:v0+s23+$0x0], $0xffff  }
0xf2: {  	_ =	sdelay $0x3  }
0xf3: {  	[tilespmem:s29+$0x380] =	vst v0  }
0xf4: {  	s24 =	sadd.s32 $0x1, s24;
	_ =	swait.ge [sflag:s0], $0x2000  }
0xf5: {  	p0 =	sne.s32 s24, s22;
	[sflag:s0] =	ssyncset.done $0x0  }
.Ltmp3:
0xf6: {  	[sflag:s0] =	ssyncadd.s32 $0xFFFFE000;
	(pc) =	sbr.rel @p0 .LBB2_2-.Ltmp3, $4  }
0xf7: {  	[hbm4b:s5+s3] =	stream.linear.scatter [tilespmem:s1], [sflag:$0x3], $0x2000, $0x38;
	[tilespmem:$0x14800] =	vst v63  }
0xf8: {  	_ =	swait.ge [sflag:s2], $0x2000  }
0xf9: {  	[sflag:s2] =	ssyncset.done $0x0  }
0xfa: {  	[sflag:s2] =	ssyncadd.s32 $0xFFFFE000  }
.LBB2_7:
0xfb: {  	_ =	sfence.sel $0x180000  }
0xfc: {  	[bflag:$0x0] =	sbarrier.arrive $0xFFFF  }
0xfd: {  	_ =	strace $0x90000047  }
0xfe: {  	s0 =	stileid.u32;
	[bflag:$0x2] =	sbarrier.arrive $0xFFFF  }
0xff: {  	p0 =	sne.s32 s0, $0x0;
	s0 =	rddreg [dreg:$0x3]  }
0x100: {  	s0 =	sadd.s32 @!p0 $0x100000, s0  }
0x101: {  	[sflag:s0] =	ssyncadd.tile.s32 @!p0 $0x1;
	_ =	shalt  }
.Lfunc_end2:
_tile_overlayer_lowered:
.L_overlay_start_2:
0x102: {  	(tag) =	ssettag $0x2  }
0x103: {  	s0 =	rddreg [dreg:$0x0];
	s2 =	stileid.u32  }
0x104: {  	s1 =	rddreg [dreg:$0x1];
	p0 =	sne.s32 s2, $0x0  }
0x105: {  	s3 =	rddreg [dreg:$0x2];
	[bflag:$0x3] =	sbarrier.arrive $0xFFFF;
	s2 =	simm.s32 @!p0 $0x1C03  }
0x106: {  	[timem:s3], [sflag:s2] =	dma.local @!p0 [hbm:s0], s1  }
0x107: {  	s0 =	simm.s32 @!p0 $0x3  }
0x108: {  	_ =	swait.ge @!p0 [sflag:s0], s1  }
0x109: {  	s1 =	ssub.s32 @!p0 $0x0, s1;
	[sflag:s0] =	ssyncset.done @!p0 $0x0  }
0x10a: {  	[sflag:s0] =	ssyncadd.s32 @!p0 s1  }
0x10b: {  	[bflag:$0x3] =	sbarrier.arrive $0xFFFF  }
0x10c: {  	_ =	shalt  }

</sc_bundles>
